<compile_context>
chip_gen: v7x
topology: tpu7x:2x2x1
jax: 0.10.2.dev20260603
libtpu: 0.0.44.dev20260713+nightly
codegen_flags: <defaults>
</compile_context>

<pallas_src>
import functools

import jax
import jax.numpy as jnp
from jax import lax
from jax.experimental import pallas as pl
from jax.experimental.pallas import tpu as pltpu
from jax.experimental.pallas import tpu_sc as plsc

DIM = 1024
NH = 16
NKV = 8
HD = 64
HIDDEN = 3584
NE = 8
B = 16
MAXSEQ = 2048
EPS = 1e-06
HC = HIDDEN // 4


def _attn_body(sidx_ref, x_ref, kv_ref, wq_ref, wk_ref, wv_ref, wo_ref,
               gw_ref, anw_ref, fnw_ref, cos_ref, sin_ref, mask_ref,
               h_ref, r_ref, lt_ref):
    xrow = x_ref[0]
    ms = jnp.mean(xrow * xrow)
    xin = xrow * lax.rsqrt(ms + EPS) * anw_ref[...]

    dn = (((1,), (1,)), ((), ()))
    q = lax.dot_general(xin, wq_ref[...], dn, preferred_element_type=jnp.float32, precision=lax.Precision.DEFAULT)
    k = lax.dot_general(xin, wk_ref[...], dn, preferred_element_type=jnp.float32, precision=lax.Precision.DEFAULT)
    v = lax.dot_general(xin, wv_ref[...], dn, preferred_element_type=jnp.float32, precision=lax.Precision.DEFAULT)

    cos_q = cos_ref[...]
    sin_q = sin_ref[...]
    lanes = lax.broadcasted_iota(jnp.int32, (1, NH * HD), 1)
    even = (lanes % 2) == 0
    qrot = jnp.where(even, -pltpu.roll(q, NH * HD - 1, 1), pltpu.roll(q, 1, 1))
    qr = q * cos_q + qrot * sin_q
    kw = NKV * HD
    krot = jnp.where(even[:, :kw], -pltpu.roll(k, kw - 1, 1), pltpu.roll(k, 1, 1))
    kr = k * cos_q[:, :kw] + krot * sin_q[:, :kw]

    Kp = kv_ref[0, 0]
    Vp = kv_ref[1, 0]
    sidx = sidx_ref[0, 0]
    pos = lax.broadcasted_iota(jnp.int32, (1, MAXSEQ), 1)
    oneh = pos == sidx
    mrow = mask_ref[...]

    q8 = qr * 8.0
    q8b = q8.astype(jnp.bfloat16)
    z64 = jnp.zeros((1, HD), dtype=jnp.bfloat16)

    sgroups = []
    for hh in range(4):
        rows = []
        for j in range(4):
            qh = hh * 4 + j
            qa = q8b[:, qh * HD:(qh + 1) * HD]
            rows.append(jnp.concatenate([qa, z64], 1) if j < 2
                        else jnp.concatenate([z64, qa], 1))
        q4 = jnp.concatenate(rows, axis=0)
        sgroups.append(lax.dot_general(q4, Kp[hh], dn,
                                       preferred_element_type=jnp.float32))
    S = jnp.concatenate(sgroups, axis=0)

    rowi = lax.broadcasted_iota(jnp.int32, (NH, 1), 0)
    snew = jnp.zeros((NH, 1), dtype=jnp.float32)
    for qh in range(NH):
        kvh = qh // 2
        sv = jnp.sum(q8[:, qh * HD:(qh + 1) * HD] * kr[:, kvh * HD:(kvh + 1) * HD])
        snew = jnp.where(rowi == qh, sv, snew)

    S = jnp.where(oneh, snew, S) + mrow
    m = jnp.max(S, axis=1, keepdims=True)
    P = jnp.exp(S - m)
    denom = jnp.sum(P, axis=1, keepdims=True)
    Pz = jnp.where(oneh, 0.0, P)
    pidx = denom - jnp.sum(Pz, axis=1, keepdims=True)
    Pzb = Pz.astype(jnp.bfloat16)

    ocols = []
    for hh in range(4):
        O4 = lax.dot_general(Pzb[hh * 4:hh * 4 + 4, :], Vp[hh],
                             (((1,), (0,)), ((), ())),
                             preferred_element_type=jnp.float32)
        r4 = lax.broadcasted_iota(jnp.int32, (4, HD), 0)
        O64 = jnp.where(r4 < 2, O4[:, :HD], O4[:, HD:])
        vn = jnp.concatenate(
            [v[:, (2 * hh) * HD:(2 * hh + 1) * HD],
             v[:, (2 * hh) * HD:(2 * hh + 1) * HD],
             v[:, (2 * hh + 1) * HD:(2 * hh + 2) * HD],
             v[:, (2 * hh + 1) * HD:(2 * hh + 2) * HD]], axis=0)
        o4 = (O64 + pidx[hh * 4:hh * 4 + 4, :] * vn) / denom[hh * 4:hh * 4 + 4, :]
        for j in range(4):
            ocols.append(o4[j:j + 1, :])
    attn_flat = jnp.concatenate(ocols, axis=1)
    acc = lax.dot_general(attn_flat, wo_ref[...], dn,
                          preferred_element_type=jnp.float32,
                          precision=lax.Precision.DEFAULT)

    hrow = xrow + acc
    h_ref[0] = hrow
    ms2 = jnp.mean(hrow * hrow)
    rrow = hrow * lax.rsqrt(ms2 + EPS) * fnw_ref[...]
    r_ref[0] = rrow
    lt_ref[0] = lax.dot_general(rrow, gw_ref[...], dn,
                                preferred_element_type=jnp.float32, precision=lax.Precision.DEFAULT)


def _moe_body(r_ref, h_ref, c_ref, w1_ref, w3_ref, w2_ref, o_ref):
    e = pl.program_id(0)
    step = e * 4 + pl.program_id(1)
    r = r_ref[...]
    dn = (((1,), (1,)), ((), ()))
    a = lax.dot_general(r, w1_ref[0], dn, preferred_element_type=jnp.float32, precision=lax.Precision.DEFAULT)
    b = lax.dot_general(r, w3_ref[0], dn, preferred_element_type=jnp.float32, precision=lax.Precision.DEFAULT)
    hg = (a * jax.nn.sigmoid(a)) * b
    y = lax.dot_general(hg, w2_ref[0], (((1,), (0,)), ((), ())),
                        preferred_element_type=jnp.float32, precision=lax.Precision.DEFAULT)
    col = lax.broadcasted_iota(jnp.int32, (B, NE), 1) == e
    cval = jnp.sum(jnp.where(col, c_ref[...], 0.0), axis=1, keepdims=True)
    y = y * cval

    @pl.when(step == 0)
    def _():
        o_ref[...] = h_ref[...] + y

    @pl.when(step != 0)
    def _():
        o_ref[...] = o_ref[...] + y


def _route_body(lt_hbm, ct_hbm, lt_v, ct_v):
    cid = lax.axis_index("c")
    sid = lax.axis_index("s")

    @pl.when(jnp.logical_and(cid == 0, sid == 0))
    def _():
        pltpu.sync_copy(lt_hbm, lt_v)
        neg = jnp.full((B,), -1e30, dtype=jnp.float32)
        zero = jnp.zeros((B,), dtype=jnp.float32)
        m1 = neg
        a1 = jnp.zeros((B,), dtype=jnp.int32)
        for e in range(NE):
            ve = lt_v[e, :]
            c = ve > m1
            a1 = jnp.where(c, jnp.int32(e), a1)
            m1 = jnp.where(c, ve, m1)
        m2 = neg
        a2 = jnp.zeros((B,), dtype=jnp.int32)
        for e in range(NE):
            ve = lt_v[e, :]
            c = jnp.logical_and(ve > m2, a1 != jnp.int32(e))
            a2 = jnp.where(c, jnp.int32(e), a2)
            m2 = jnp.where(c, ve, m2)
        t = jnp.exp(m2 - m1)
        w2v = t / (1.0 + t)
        w1v = 1.0 - w2v
        for e in range(NE):
            ct_v[e, :] = (jnp.where(a1 == jnp.int32(e), w1v, zero)
                          + jnp.where(a2 == jnp.int32(e), w2v, zero))
        pltpu.sync_copy(ct_v, ct_hbm)


@functools.cache
def _make_route():
    return pl.kernel(
        _route_body,
        out_type=jax.ShapeDtypeStruct((NE, B), jnp.float32),
        mesh=plsc.VectorSubcoreMesh(core_axis_name="c", subcore_axis_name="s"),
        scratch_types=[pltpu.VMEM((NE, B), jnp.float32),
                       pltpu.VMEM((NE, B), jnp.float32)],
    )


def _route(lt):
    return _make_route()(lt)


def kernel(x, freqs_cis, cache, mask, storage_idx, wq, wk, wv, wo,
           attn_norm_w, ffn_norm_w, gate_w, w1, w2, w3):
    sidx = storage_idx[0]
    f = freqs_cis[sidx]
    cos = jnp.repeat(f[:, 0], 2)
    sin = jnp.repeat(f[:, 1], 2)
    cos_q = jnp.tile(cos, NH)[None, :]
    sin_q = jnp.tile(sin, NH)[None, :]
    mrow = mask[sidx][None, :]
    kvb = cache.reshape(2, B, MAXSEQ, 4, 2 * HD).transpose(0, 1, 3, 2, 4)
    kvb = kvb.astype(jnp.bfloat16)
    sidx2 = storage_idx.reshape(1, 1)
    anw = attn_norm_w[None, :]
    fnw = ffn_norm_w[None, :]

    full = lambda shape: pl.BlockSpec(shape, lambda b: tuple(0 for _ in shape))
    h, r, lt = pl.pallas_call(
        _attn_body,
        grid=(B,),
        in_specs=[
            pl.BlockSpec(memory_space=pltpu.SMEM),
            pl.BlockSpec((1, 1, DIM), lambda b: (b, 0, 0)),
            pl.BlockSpec((2, 1, 4, MAXSEQ, 2 * HD),
                         lambda b: (0, b, 0, 0, 0)),
            full((NH * HD, DIM)),
            full((NKV * HD, DIM)),
            full((NKV * HD, DIM)),
            full((DIM, NH * HD)),
            full((NE, DIM)),
            full((1, DIM)),
            full((1, DIM)),
            full((1, NH * HD)),
            full((1, NH * HD)),
            full((1, MAXSEQ)),
        ],
        out_specs=[
            pl.BlockSpec((1, 1, DIM), lambda b: (b, 0, 0)),
            pl.BlockSpec((1, 1, DIM), lambda b: (b, 0, 0)),
            pl.BlockSpec((1, 1, NE), lambda b: (b, 0, 0)),
        ],
        out_shape=[
            jax.ShapeDtypeStruct((B, 1, DIM), jnp.float32),
            jax.ShapeDtypeStruct((B, 1, DIM), jnp.float32),
            jax.ShapeDtypeStruct((B, 1, NE), jnp.float32),
        ],
        compiler_params=pltpu.CompilerParams(
            dimension_semantics=("arbitrary",)),
    )(sidx2, x, kvb, wq, wk, wv, wo, gate_w, anw, fnw, cos_q, sin_q, mrow)

    lt2 = lt.reshape(B, NE).T
    ct = _route(lt2)
    cmat = ct.T

    out = pl.pallas_call(
        _moe_body,
        grid=(NE, 4),
        in_specs=[
            pl.BlockSpec((B, DIM), lambda e, c: (0, 0)),
            pl.BlockSpec((B, DIM), lambda e, c: (0, 0)),
            pl.BlockSpec((B, NE), lambda e, c: (0, 0)),
            pl.BlockSpec((1, HC, DIM), lambda e, c: (e, c, 0)),
            pl.BlockSpec((1, HC, DIM), lambda e, c: (e, c, 0)),
            pl.BlockSpec((1, HC, DIM), lambda e, c: (e, c, 0)),
        ],
        out_specs=pl.BlockSpec((B, DIM), lambda e, c: (0, 0)),
        out_shape=jax.ShapeDtypeStruct((B, DIM), jnp.float32),
        compiler_params=pltpu.CompilerParams(
            dimension_semantics=("arbitrary", "arbitrary")),
    )(r.reshape(B, DIM), h.reshape(B, DIM), cmat, w1, w3, w2)

    return out.reshape(B, 1, DIM)

# --- scband reference (transcript-rebuilt; emitter-appended) ---
"""Pipeline reference for scband-transformer-block-27668179320919 (READ-ONLY COPY).

The authoritative reference and input builder live on the scoring server;
editing this copy changes nothing except your own understanding.
"""

import jax, jax.numpy as jnp
import numpy as np

DIM = 1024
NH = 16
NKV = 8
HD = 64
HIDDEN = 3584
NE = 8
TOPK = 2
B = 16
S = 1
MAXSEQ = 2048
EPS = 1e-06


def setup_inputs():
    ks = jax.random.split(jax.random.key(0), 12)
    x = jax.random.normal(ks[0], (B, S, DIM), dtype=jnp.float32)
    inv = 1.0 / (10000.0 ** (jnp.arange(0, HD, 2, dtype=jnp.float32) / HD))
    ang = jnp.outer(jnp.arange(MAXSEQ, dtype=jnp.float32), inv)
    freqs_cis = jnp.stack([jnp.cos(ang), jnp.sin(ang)], axis=-1)
    cache = jax.random.normal(ks[1], (2, 1, B, MAXSEQ, NKV, HD), dtype=jnp.float32)
    mask = jnp.zeros((MAXSEQ, MAXSEQ), dtype=jnp.float32)
    storage_idx = jax.random.randint(ks[2], (S,), 0, MAXSEQ, dtype=jnp.int32)
    sc = 0.01
    wq = sc * jax.random.normal(ks[3], (NH * HD, DIM), dtype=jnp.float32)
    wk = sc * jax.random.normal(ks[4], (NKV * HD, DIM), dtype=jnp.float32)
    wv = sc * jax.random.normal(ks[5], (NKV * HD, DIM), dtype=jnp.float32)
    wo = sc * jax.random.normal(ks[6], (DIM, NH * HD), dtype=jnp.float32)
    gate_w = sc * jax.random.normal(ks[7], (NE, DIM), dtype=jnp.float32)
    w1 = sc * jax.random.normal(ks[8], (NE, HIDDEN, DIM), dtype=jnp.float32)
    w2 = sc * jax.random.normal(ks[9], (NE, HIDDEN, DIM), dtype=jnp.float32)
    w3 = sc * jax.random.normal(ks[10], (NE, HIDDEN, DIM), dtype=jnp.float32)
    attn_norm_w = jnp.ones((DIM,), dtype=jnp.float32)
    ffn_norm_w = jnp.ones((DIM,), dtype=jnp.float32)
    return dict(x=x, freqs_cis=freqs_cis, cache=cache, mask=mask, storage_idx=storage_idx, wq=wq, wk=wk, wv=wv, wo=wo, attn_norm_w=attn_norm_w, ffn_norm_w=ffn_norm_w, gate_w=gate_w, w1=w1, w2=w2, w3=w3)


def _rms(x, w):
    return x * jax.lax.rsqrt(jnp.mean(x * x, axis=-1, keepdims=True) + EPS) * w


def _rope(x, f):
    xr = x.reshape(x.shape[:-1] + (HD // 2, 2))
    a = xr[..., 0]
    b = xr[..., 1]
    c = f[None, :, None, :, 0]
    d = f[None, :, None, :, 1]
    out = jnp.stack([a * c - b * d, a * d + b * c], axis=-1)
    return out.reshape(x.shape)


def reference(x, freqs_cis, cache, mask, storage_idx, wq, wk, wv, wo, attn_norm_w, ffn_norm_w, gate_w, w1, w2, w3):
    bsz, seqlen, _ = x.shape
    xin = _rms(x, attn_norm_w)
    xq = (xin @ wq.T).reshape(bsz, seqlen, NH, HD)
    xk = (xin @ wk.T).reshape(bsz, seqlen, NKV, HD)
    xv = (xin @ wv.T).reshape(bsz, seqlen, NKV, HD)
    f = freqs_cis[storage_idx]
    xq = _rope(xq, f)
    xk = _rope(xk, f)
    keys = cache[0, 0].at[:, storage_idx].set(xk)
    values = cache[1, 0].at[:, storage_idx].set(xv)
    rep = NH // NKV
    keys = jnp.repeat(keys, rep, axis=2)
    values = jnp.repeat(values, rep, axis=2)
    q = xq.transpose(0, 2, 1, 3)
    k = keys.transpose(0, 2, 1, 3)
    v = values.transpose(0, 2, 1, 3)
    scores = (q @ k.transpose(0, 1, 3, 2)) / (HD ** -0.5)
    scores = scores + mask[storage_idx][None, None, :, :]
    scores = jax.nn.softmax(scores.astype(jnp.float32), axis=-1)
    attn = (scores @ v).transpose(0, 2, 1, 3).reshape(bsz, seqlen, NH * HD) @ wo.T
    h = x + attn
    r = _rms(h, ffn_norm_w).reshape(-1, DIM)
    gate_logits = r @ gate_w.T
    topk_w, topk_idx = jax.lax.top_k(gate_logits, TOPK)
    topk_w = jax.nn.softmax(topk_w, axis=1)
    ys = jnp.stack([(jax.nn.silu(r @ w1[i].T) * (r @ w3[i].T)) @ w2[i] for i in range(NE)])
    n = r.shape[0]
    tok = jnp.arange(n)
    moe = jnp.zeros_like(r)
    for kk in range(TOPK):
        moe = moe + topk_w[:, kk:kk + 1] * ys[topk_idx[:, kk], tok]
    return h + moe.reshape(h.shape)

if __name__ == "__main__":
    import jax
    _d = setup_inputs()
    print(jax.jit(kernel)(*tuple(_d.values())))

</pallas_src>

<mosaic_0001>
#map = affine_map<(d0, d1) -> (0, 0)>
module attributes {stable_mosaic.version = 14 : i64} {
  func.func @_route_body(%arg0: i32, %arg1: i32, %arg2: memref<8x16xf32, #tpu.memory_space<hbm>>, %arg3: memref<8x16xf32, #tpu.memory_space<hbm>>, %arg4: memref<8x16xf32, #tpu.memory_space<vmem>>, %arg5: memref<8x16xf32, #tpu.memory_space<vmem>>) attributes {dimension_semantics = [#tpu.dimension_semantics<core_parallel>, #tpu.dimension_semantics<subcore_parallel>], iteration_bounds = array<i64: 2, 16>, scalar_prefetch = 0 : i64, scratch_operands = 2 : i64, tpu.core_type = #tpu.core_type<sc_vector_subcore>, window_params = [{transform_indices = #map}, {transform_indices = #map}]} {
    %eq3A = arith.constant 0 : i32
    %eq3A_0 = arith.cmpi eq, %arg0, %eq3A : i32
    %eq3A_1 = arith.constant 0 : i32
    %eq3A_2 = arith.cmpi eq, %arg1, %eq3A_1 : i32
    %and3A = arith.andi %eq3A_0, %eq3A_2 : i1
    %convert_element_type3A = arith.extui %and3A : i1 to i32
    %cond3A = arith.constant 0 : i32
    %cond3A_3 = arith.cmpi ne, %convert_element_type3A, %cond3A : i32
    scf.if %cond3A_3 {
      "tpu.region"() ({
        %run_scoped3A = tpu.sem_alloc : memref<!tpu.dma_semaphore, #tpu.memory_space<semaphore_mem>>
        tpu.enqueue_dma source(%arg2 : memref<8x16xf32, #tpu.memory_space<hbm>>) target(%arg4 : memref<8x16xf32, #tpu.memory_space<vmem>>) target_semaphore(%run_scoped3A : memref<!tpu.dma_semaphore, #tpu.memory_space<semaphore_mem>>)
        tpu.wait_dma2 semaphore(%run_scoped3A : memref<!tpu.dma_semaphore, #tpu.memory_space<semaphore_mem>>) src(%arg2 : memref<8x16xf32, #tpu.memory_space<hbm>>) dst(%arg4 : memref<8x16xf32, #tpu.memory_space<vmem>>)
        tpu.yield
      }) : () -> ()
      %broadcast_in_dim3A = arith.constant -1.000000e+30 : f32
      %broadcast_in_dim3A_4 = vector.broadcast %broadcast_in_dim3A : f32 to vector<16xf32>
      %broadcast_in_dim3A_5 = arith.constant 0.000000e+00 : f32
      %broadcast_in_dim3A_6 = vector.broadcast %broadcast_in_dim3A_5 : f32 to vector<16xf32>
      %broadcast_in_dim3A_7 = arith.constant 0 : i32
      %broadcast_in_dim3A_8 = vector.broadcast %broadcast_in_dim3A_7 : i32 to vector<16xi32>
      %get3A = arith.constant 0 : i32
      %get3A_9 = arith.index_cast %get3A : i32 to index
      %get3A_10 = arith.constant 0 : index
      %get3A_11 = tpu.vector_load %arg4[%get3A_9, %get3A_10] {strides = array<i32>} : memref<8x16xf32, #tpu.memory_space<vmem>>, vector<1x16xf32>,
      %get3A_12 = vector.shape_cast %get3A_11 : vector<1x16xf32> to vector<16xf32>
      %gt3A = arith.cmpf ogt, %get3A_12, %broadcast_in_dim3A_4 : vector<16xf32>
      %jit3A = arith.constant 0 : i32
      %broadcast_in_dim3A_13 = vector.broadcast %jit3A : i32 to vector<16xi32>
      %select_n3A = arith.select %gt3A, %broadcast_in_dim3A_13, %broadcast_in_dim3A_8 : vector<16xi1>, vector<16xi32>
      %select_n3A_14 = arith.select %gt3A, %get3A_12, %broadcast_in_dim3A_4 : vector<16xi1>, vector<16xf32>
      %get3A_15 = arith.constant 1 : i32
      %get3A_16 = arith.index_cast %get3A_15 : i32 to index
      %get3A_17 = arith.constant 0 : index
      %get3A_18 = tpu.vector_load %arg4[%get3A_16, %get3A_17] {strides = array<i32>} : memref<8x16xf32, #tpu.memory_space<vmem>>, vector<1x16xf32>,
      %get3A_19 = vector.shape_cast %get3A_18 : vector<1x16xf32> to vector<16xf32>
      %gt3A_20 = arith.cmpf ogt, %get3A_19, %select_n3A_14 : vector<16xf32>
      %jit3A_21 = arith.constant 1 : i32
      %broadcast_in_dim3A_22 = vector.broadcast %jit3A_21 : i32 to vector<16xi32>
      %select_n3A_23 = arith.select %gt3A_20, %broadcast_in_dim3A_22, %select_n3A : vector<16xi1>, vector<16xi32>
      %select_n3A_24 = arith.select %gt3A_20, %get3A_19, %select_n3A_14 : vector<16xi1>, vector<16xf32>
      %get3A_25 = arith.constant 2 : i32
      %get3A_26 = arith.index_cast %get3A_25 : i32 to index
      %get3A_27 = arith.constant 0 : index
      %get3A_28 = tpu.vector_load %arg4[%get3A_26, %get3A_27] {strides = array<i32>} : memref<8x16xf32, #tpu.memory_space<vmem>>, vector<1x16xf32>,
      %get3A_29 = vector.shape_cast %get3A_28 : vector<1x16xf32> to vector<16xf32>
      %gt3A_30 = arith.cmpf ogt, %get3A_29, %select_n3A_24 : vector<16xf32>
      %jit3A_31 = arith.constant 2 : i32
      %broadcast_in_dim3A_32 = vector.broadcast %jit3A_31 : i32 to vector<16xi32>
      %select_n3A_33 = arith.select %gt3A_30, %broadcast_in_dim3A_32, %select_n3A_23 : vector<16xi1>, vector<16xi32>
      %select_n3A_34 = arith.select %gt3A_30, %get3A_29, %select_n3A_24 : vector<16xi1>, vector<16xf32>
      %get3A_35 = arith.constant 3 : i32
      %get3A_36 = arith.index_cast %get3A_35 : i32 to index
      %get3A_37 = arith.constant 0 : index
      %get3A_38 = tpu.vector_load %arg4[%get3A_36, %get3A_37] {strides = array<i32>} : memref<8x16xf32, #tpu.memory_space<vmem>>, vector<1x16xf32>,
      %get3A_39 = vector.shape_cast %get3A_38 : vector<1x16xf32> to vector<16xf32>
      %gt3A_40 = arith.cmpf ogt, %get3A_39, %select_n3A_34 : vector<16xf32>
      %jit3A_41 = arith.constant 3 : i32
      %broadcast_in_dim3A_42 = vector.broadcast %jit3A_41 : i32 to vector<16xi32>
      %select_n3A_43 = arith.select %gt3A_40, %broadcast_in_dim3A_42, %select_n3A_33 : vector<16xi1>, vector<16xi32>
      %select_n3A_44 = arith.select %gt3A_40, %get3A_39, %select_n3A_34 : vector<16xi1>, vector<16xf32>
      %get3A_45 = arith.constant 4 : i32
      %get3A_46 = arith.index_cast %get3A_45 : i32 to index
      %get3A_47 = arith.constant 0 : index
      %get3A_48 = tpu.vector_load %arg4[%get3A_46, %get3A_47] {strides = array<i32>} : memref<8x16xf32, #tpu.memory_space<vmem>>, vector<1x16xf32>,
      %get3A_49 = vector.shape_cast %get3A_48 : vector<1x16xf32> to vector<16xf32>
      %gt3A_50 = arith.cmpf ogt, %get3A_49, %select_n3A_44 : vector<16xf32>
      %jit3A_51 = arith.constant 4 : i32
      %broadcast_in_dim3A_52 = vector.broadcast %jit3A_51 : i32 to vector<16xi32>
      %select_n3A_53 = arith.select %gt3A_50, %broadcast_in_dim3A_52, %select_n3A_43 : vector<16xi1>, vector<16xi32>
      %select_n3A_54 = arith.select %gt3A_50, %get3A_49, %select_n3A_44 : vector<16xi1>, vector<16xf32>
      %get3A_55 = arith.constant 5 : i32
      %get3A_56 = arith.index_cast %get3A_55 : i32 to index
      %get3A_57 = arith.constant 0 : index
      %get3A_58 = tpu.vector_load %arg4[%get3A_56, %get3A_57] {strides = array<i32>} : memref<8x16xf32, #tpu.memory_space<vmem>>, vector<1x16xf32>,
      %get3A_59 = vector.shape_cast %get3A_58 : vector<1x16xf32> to vector<16xf32>
      %gt3A_60 = arith.cmpf ogt, %get3A_59, %select_n3A_54 : vector<16xf32>
      %jit3A_61 = arith.constant 5 : i32
      %broadcast_in_dim3A_62 = vector.broadcast %jit3A_61 : i32 to vector<16xi32>
      %select_n3A_63 = arith.select %gt3A_60, %broadcast_in_dim3A_62, %select_n3A_53 : vector<16xi1>, vector<16xi32>
      %select_n3A_64 = arith.select %gt3A_60, %get3A_59, %select_n3A_54 : vector<16xi1>, vector<16xf32>
      %get3A_65 = arith.constant 6 : i32
      %get3A_66 = arith.index_cast %get3A_65 : i32 to index
      %get3A_67 = arith.constant 0 : index
      %get3A_68 = tpu.vector_load %arg4[%get3A_66, %get3A_67] {strides = array<i32>} : memref<8x16xf32, #tpu.memory_space<vmem>>, vector<1x16xf32>,
      %get3A_69 = vector.shape_cast %get3A_68 : vector<1x16xf32> to vector<16xf32>
      %gt3A_70 = arith.cmpf ogt, %get3A_69, %select_n3A_64 : vector<16xf32>
      %jit3A_71 = arith.constant 6 : i32
      %broadcast_in_dim3A_72 = vector.broadcast %jit3A_71 : i32 to vector<16xi32>
      %select_n3A_73 = arith.select %gt3A_70, %broadcast_in_dim3A_72, %select_n3A_63 : vector<16xi1>, vector<16xi32>
      %select_n3A_74 = arith.select %gt3A_70, %get3A_69, %select_n3A_64 : vector<16xi1>, vector<16xf32>
      %get3A_75 = arith.constant 7 : i32
      %get3A_76 = arith.index_cast %get3A_75 : i32 to index
      %get3A_77 = arith.constant 0 : index
      %get3A_78 = tpu.vector_load %arg4[%get3A_76, %get3A_77] {strides = array<i32>} : memref<8x16xf32, #tpu.memory_space<vmem>>, vector<1x16xf32>,
      %get3A_79 = vector.shape_cast %get3A_78 : vector<1x16xf32> to vector<16xf32>
      %gt3A_80 = arith.cmpf ogt, %get3A_79, %select_n3A_74 : vector<16xf32>
      %jit3A_81 = arith.constant 7 : i32
      %broadcast_in_dim3A_82 = vector.broadcast %jit3A_81 : i32 to vector<16xi32>
      %select_n3A_83 = arith.select %gt3A_80, %broadcast_in_dim3A_82, %select_n3A_73 : vector<16xi1>, vector<16xi32>
      %select_n3A_84 = arith.select %gt3A_80, %get3A_79, %select_n3A_74 : vector<16xi1>, vector<16xf32>
      %broadcast_in_dim3A_85 = arith.constant 0 : i32
      %broadcast_in_dim3A_86 = vector.broadcast %broadcast_in_dim3A_85 : i32 to vector<16xi32>
      %get3A_87 = arith.constant 0 : i32
      %get3A_88 = arith.index_cast %get3A_87 : i32 to index
      %get3A_89 = arith.constant 0 : index
      %get3A_90 = tpu.vector_load %arg4[%get3A_88, %get3A_89] {strides = array<i32>} : memref<8x16xf32, #tpu.memory_space<vmem>>, vector<1x16xf32>,
      %get3A_91 = vector.shape_cast %get3A_90 : vector<1x16xf32> to vector<16xf32>
      %gt3A_92 = arith.cmpf ogt, %get3A_91, %broadcast_in_dim3A_4 : vector<16xf32>
      %ne3A = arith.constant 0 : i32
      %ne3A_93 = vector.broadcast %ne3A : i32 to vector<16xi32>
      %ne3A_94 = arith.cmpi ne, %select_n3A_83, %ne3A_93 : vector<16xi32>
      %and3A_95 = arith.andi %gt3A_92, %ne3A_94 : vector<16xi1>
      %jit3A_96 = arith.constant 0 : i32
      %broadcast_in_dim3A_97 = vector.broadcast %jit3A_96 : i32 to vector<16xi32>
      %select_n3A_98 = arith.select %and3A_95, %broadcast_in_dim3A_97, %broadcast_in_dim3A_86 : vector<16xi1>, vector<16xi32>
      %select_n3A_99 = arith.select %and3A_95, %get3A_91, %broadcast_in_dim3A_4 : vector<16xi1>, vector<16xf32>
      %get3A_100 = arith.constant 1 : i32
      %get3A_101 = arith.index_cast %get3A_100 : i32 to index
      %get3A_102 = arith.constant 0 : index
      %get3A_103 = tpu.vector_load %arg4[%get3A_101, %get3A_102] {strides = array<i32>} : memref<8x16xf32, #tpu.memory_space<vmem>>, vector<1x16xf32>,
      %get3A_104 = vector.shape_cast %get3A_103 : vector<1x16xf32> to vector<16xf32>
      %gt3A_105 = arith.cmpf ogt, %get3A_104, %select_n3A_99 : vector<16xf32>
      %ne3A_106 = arith.constant 1 : i32
      %ne3A_107 = vector.broadcast %ne3A_106 : i32 to vector<16xi32>
      %ne3A_108 = arith.cmpi ne, %select_n3A_83, %ne3A_107 : vector<16xi32>
      %and3A_109 = arith.andi %gt3A_105, %ne3A_108 : vector<16xi1>
      %jit3A_110 = arith.constant 1 : i32
      %broadcast_in_dim3A_111 = vector.broadcast %jit3A_110 : i32 to vector<16xi32>
      %select_n3A_112 = arith.select %and3A_109, %broadcast_in_dim3A_111, %select_n3A_98 : vector<16xi1>, vector<16xi32>
      %select_n3A_113 = arith.select %and3A_109, %get3A_104, %select_n3A_99 : vector<16xi1>, vector<16xf32>
      %get3A_114 = arith.constant 2 : i32
      %get3A_115 = arith.index_cast %get3A_114 : i32 to index
      %get3A_116 = arith.constant 0 : index
      %get3A_117 = tpu.vector_load %arg4[%get3A_115, %get3A_116] {strides = array<i32>} : memref<8x16xf32, #tpu.memory_space<vmem>>, vector<1x16xf32>,
      %get3A_118 = vector.shape_cast %get3A_117 : vector<1x16xf32> to vector<16xf32>
      %gt3A_119 = arith.cmpf ogt, %get3A_118, %select_n3A_113 : vector<16xf32>
      %ne3A_120 = arith.constant 2 : i32
      %ne3A_121 = vector.broadcast %ne3A_120 : i32 to vector<16xi32>
      %ne3A_122 = arith.cmpi ne, %select_n3A_83, %ne3A_121 : vector<16xi32>
      %and3A_123 = arith.andi %gt3A_119, %ne3A_122 : vector<16xi1>
      %jit3A_124 = arith.constant 2 : i32
      %broadcast_in_dim3A_125 = vector.broadcast %jit3A_124 : i32 to vector<16xi32>
      %select_n3A_126 = arith.select %and3A_123, %broadcast_in_dim3A_125, %select_n3A_112 : vector<16xi1>, vector<16xi32>
      %select_n3A_127 = arith.select %and3A_123, %get3A_118, %select_n3A_113 : vector<16xi1>, vector<16xf32>
      %get3A_128 = arith.constant 3 : i32
      %get3A_129 = arith.index_cast %get3A_128 : i32 to index
      %get3A_130 = arith.constant 0 : index
      %get3A_131 = tpu.vector_load %arg4[%get3A_129, %get3A_130] {strides = array<i32>} : memref<8x16xf32, #tpu.memory_space<vmem>>, vector<1x16xf32>,
      %get3A_132 = vector.shape_cast %get3A_131 : vector<1x16xf32> to vector<16xf32>
      %gt3A_133 = arith.cmpf ogt, %get3A_132, %select_n3A_127 : vector<16xf32>
      %ne3A_134 = arith.constant 3 : i32
      %ne3A_135 = vector.broadcast %ne3A_134 : i32 to vector<16xi32>
      %ne3A_136 = arith.cmpi ne, %select_n3A_83, %ne3A_135 : vector<16xi32>
      %and3A_137 = arith.andi %gt3A_133, %ne3A_136 : vector<16xi1>
      %jit3A_138 = arith.constant 3 : i32
      %broadcast_in_dim3A_139 = vector.broadcast %jit3A_138 : i32 to vector<16xi32>
      %select_n3A_140 = arith.select %and3A_137, %broadcast_in_dim3A_139, %select_n3A_126 : vector<16xi1>, vector<16xi32>
      %select_n3A_141 = arith.select %and3A_137, %get3A_132, %select_n3A_127 : vector<16xi1>, vector<16xf32>
      %get3A_142 = arith.constant 4 : i32
      %get3A_143 = arith.index_cast %get3A_142 : i32 to index
      %get3A_144 = arith.constant 0 : index
      %get3A_145 = tpu.vector_load %arg4[%get3A_143, %get3A_144] {strides = array<i32>} : memref<8x16xf32, #tpu.memory_space<vmem>>, vector<1x16xf32>,
      %get3A_146 = vector.shape_cast %get3A_145 : vector<1x16xf32> to vector<16xf32>
      %gt3A_147 = arith.cmpf ogt, %get3A_146, %select_n3A_141 : vector<16xf32>
      %ne3A_148 = arith.constant 4 : i32
      %ne3A_149 = vector.broadcast %ne3A_148 : i32 to vector<16xi32>
      %ne3A_150 = arith.cmpi ne, %select_n3A_83, %ne3A_149 : vector<16xi32>
      %and3A_151 = arith.andi %gt3A_147, %ne3A_150 : vector<16xi1>
      %jit3A_152 = arith.constant 4 : i32
      %broadcast_in_dim3A_153 = vector.broadcast %jit3A_152 : i32 to vector<16xi32>
      %select_n3A_154 = arith.select %and3A_151, %broadcast_in_dim3A_153, %select_n3A_140 : vector<16xi1>, vector<16xi32>
      %select_n3A_155 = arith.select %and3A_151, %get3A_146, %select_n3A_141 : vector<16xi1>, vector<16xf32>
      %get3A_156 = arith.constant 5 : i32
      %get3A_157 = arith.index_cast %get3A_156 : i32 to index
      %get3A_158 = arith.constant 0 : index
      %get3A_159 = tpu.vector_load %arg4[%get3A_157, %get3A_158] {strides = array<i32>} : memref<8x16xf32, #tpu.memory_space<vmem>>, vector<1x16xf32>,
      %get3A_160 = vector.shape_cast %get3A_159 : vector<1x16xf32> to vector<16xf32>
      %gt3A_161 = arith.cmpf ogt, %get3A_160, %select_n3A_155 : vector<16xf32>
      %ne3A_162 = arith.constant 5 : i32
      %ne3A_163 = vector.broadcast %ne3A_162 : i32 to vector<16xi32>
      %ne3A_164 = arith.cmpi ne, %select_n3A_83, %ne3A_163 : vector<16xi32>
      %and3A_165 = arith.andi %gt3A_161, %ne3A_164 : vector<16xi1>
      %jit3A_166 = arith.constant 5 : i32
      %broadcast_in_dim3A_167 = vector.broadcast %jit3A_166 : i32 to vector<16xi32>
      %select_n3A_168 = arith.select %and3A_165, %broadcast_in_dim3A_167, %select_n3A_154 : vector<16xi1>, vector<16xi32>
      %select_n3A_169 = arith.select %and3A_165, %get3A_160, %select_n3A_155 : vector<16xi1>, vector<16xf32>
      %get3A_170 = arith.constant 6 : i32
      %get3A_171 = arith.index_cast %get3A_170 : i32 to index
      %get3A_172 = arith.constant 0 : index
      %get3A_173 = tpu.vector_load %arg4[%get3A_171, %get3A_172] {strides = array<i32>} : memref<8x16xf32, #tpu.memory_space<vmem>>, vector<1x16xf32>,
      %get3A_174 = vector.shape_cast %get3A_173 : vector<1x16xf32> to vector<16xf32>
      %gt3A_175 = arith.cmpf ogt, %get3A_174, %select_n3A_169 : vector<16xf32>
      %ne3A_176 = arith.constant 6 : i32
      %ne3A_177 = vector.broadcast %ne3A_176 : i32 to vector<16xi32>
      %ne3A_178 = arith.cmpi ne, %select_n3A_83, %ne3A_177 : vector<16xi32>
      %and3A_179 = arith.andi %gt3A_175, %ne3A_178 : vector<16xi1>
      %jit3A_180 = arith.constant 6 : i32
      %broadcast_in_dim3A_181 = vector.broadcast %jit3A_180 : i32 to vector<16xi32>
      %select_n3A_182 = arith.select %and3A_179, %broadcast_in_dim3A_181, %select_n3A_168 : vector<16xi1>, vector<16xi32>
      %select_n3A_183 = arith.select %and3A_179, %get3A_174, %select_n3A_169 : vector<16xi1>, vector<16xf32>
      %get3A_184 = arith.constant 7 : i32
      %get3A_185 = arith.index_cast %get3A_184 : i32 to index
      %get3A_186 = arith.constant 0 : index
      %get3A_187 = tpu.vector_load %arg4[%get3A_185, %get3A_186] {strides = array<i32>} : memref<8x16xf32, #tpu.memory_space<vmem>>, vector<1x16xf32>,
      %get3A_188 = vector.shape_cast %get3A_187 : vector<1x16xf32> to vector<16xf32>
      %gt3A_189 = arith.cmpf ogt, %get3A_188, %select_n3A_183 : vector<16xf32>
      %ne3A_190 = arith.constant 7 : i32
      %ne3A_191 = vector.broadcast %ne3A_190 : i32 to vector<16xi32>
      %ne3A_192 = arith.cmpi ne, %select_n3A_83, %ne3A_191 : vector<16xi32>
      %and3A_193 = arith.andi %gt3A_189, %ne3A_192 : vector<16xi1>
      %jit3A_194 = arith.constant 7 : i32
      %broadcast_in_dim3A_195 = vector.broadcast %jit3A_194 : i32 to vector<16xi32>
      %select_n3A_196 = arith.select %and3A_193, %broadcast_in_dim3A_195, %select_n3A_182 : vector<16xi1>, vector<16xi32>
      %select_n3A_197 = arith.select %and3A_193, %get3A_188, %select_n3A_183 : vector<16xi1>, vector<16xf32>
      %sub3A = arith.subf %select_n3A_197, %select_n3A_84 : vector<16xf32>
      %exp3A = math.exp %sub3A : vector<16xf32>
      %add3A = arith.constant 1.000000e+00 : f32
      %add3A_198 = vector.broadcast %add3A : f32 to vector<16xf32>
      %add3A_199 = arith.addf %add3A_198, %exp3A : vector<16xf32>
      %div3A = arith.divf %exp3A, %add3A_199 : vector<16xf32>
      %sub3A_200 = arith.constant 1.000000e+00 : f32
      %sub3A_201 = vector.broadcast %sub3A_200 : f32 to vector<16xf32>
      %sub3A_202 = arith.subf %sub3A_201, %div3A : vector<16xf32>
      %eq3A_203 = arith.constant 0 : i32
      %eq3A_204 = vector.broadcast %eq3A_203 : i32 to vector<16xi32>
      %eq3A_205 = arith.cmpi eq, %select_n3A_83, %eq3A_204 : vector<16xi32>
      %select_n3A_206 = arith.select %eq3A_205, %sub3A_202, %broadcast_in_dim3A_6 : vector<16xi1>, vector<16xf32>
      %eq3A_207 = arith.constant 0 : i32
      %eq3A_208 = vector.broadcast %eq3A_207 : i32 to vector<16xi32>
      %eq3A_209 = arith.cmpi eq, %select_n3A_196, %eq3A_208 : vector<16xi32>
      %select_n3A_210 = arith.select %eq3A_209, %div3A, %broadcast_in_dim3A_6 : vector<16xi1>, vector<16xf32>
      %add3A_211 = arith.addf %select_n3A_206, %select_n3A_210 : vector<16xf32>
      %swap3A = arith.constant 0 : i32
      %swap3A_212 = arith.index_cast %swap3A : i32 to index
      %swap3A_213 = arith.constant 0 : index
      %swap3A_214 = tpu.vector_load %arg5[%swap3A_212, %swap3A_213] {strides = array<i32>} : memref<8x16xf32, #tpu.memory_space<vmem>>, vector<1x16xf32>,
      %swap3A_215 = vector.shape_cast %swap3A_214 : vector<1x16xf32> to vector<16xf32>
      %swap3A_216 = vector.shape_cast %add3A_211 : vector<16xf32> to vector<1x16xf32>
      tpu.vector_store %arg5[%swap3A_212, %swap3A_213], %swap3A_216 {strides = array<i32>} : memref<8x16xf32, #tpu.memory_space<vmem>>, vector<1x16xf32>,
      %eq3A_217 = arith.constant 1 : i32
      %eq3A_218 = vector.broadcast %eq3A_217 : i32 to vector<16xi32>
      %eq3A_219 = arith.cmpi eq, %select_n3A_83, %eq3A_218 : vector<16xi32>
      %select_n3A_220 = arith.select %eq3A_219, %sub3A_202, %broadcast_in_dim3A_6 : vector<16xi1>, vector<16xf32>
      %eq3A_221 = arith.constant 1 : i32
      %eq3A_222 = vector.broadcast %eq3A_221 : i32 to vector<16xi32>
      %eq3A_223 = arith.cmpi eq, %select_n3A_196, %eq3A_222 : vector<16xi32>
      %select_n3A_224 = arith.select %eq3A_223, %div3A, %broadcast_in_dim3A_6 : vector<16xi1>, vector<16xf32>
      %add3A_225 = arith.addf %select_n3A_220, %select_n3A_224 : vector<16xf32>
      %swap3A_226 = arith.constant 1 : i32
      %swap3A_227 = arith.index_cast %swap3A_226 : i32 to index
      %swap3A_228 = arith.constant 0 : index
      %swap3A_229 = tpu.vector_load %arg5[%swap3A_227, %swap3A_228] {strides = array<i32>} : memref<8x16xf32, #tpu.memory_space<vmem>>, vector<1x16xf32>,
      %swap3A_230 = vector.shape_cast %swap3A_229 : vector<1x16xf32> to vector<16xf32>
      %swap3A_231 = vector.shape_cast %add3A_225 : vector<16xf32> to vector<1x16xf32>
      tpu.vector_store %arg5[%swap3A_227, %swap3A_228], %swap3A_231 {strides = array<i32>} : memref<8x16xf32, #tpu.memory_space<vmem>>, vector<1x16xf32>,
      %eq3A_232 = arith.constant 2 : i32
      %eq3A_233 = vector.broadcast %eq3A_232 : i32 to vector<16xi32>
      %eq3A_234 = arith.cmpi eq, %select_n3A_83, %eq3A_233 : vector<16xi32>
      %select_n3A_235 = arith.select %eq3A_234, %sub3A_202, %broadcast_in_dim3A_6 : vector<16xi1>, vector<16xf32>
      %eq3A_236 = arith.constant 2 : i32
      %eq3A_237 = vector.broadcast %eq3A_236 : i32 to vector<16xi32>
      %eq3A_238 = arith.cmpi eq, %select_n3A_196, %eq3A_237 : vector<16xi32>
      %select_n3A_239 = arith.select %eq3A_238, %div3A, %broadcast_in_dim3A_6 : vector<16xi1>, vector<16xf32>
      %add3A_240 = arith.addf %select_n3A_235, %select_n3A_239 : vector<16xf32>
      %swap3A_241 = arith.constant 2 : i32
      %swap3A_242 = arith.index_cast %swap3A_241 : i32 to index
      %swap3A_243 = arith.constant 0 : index
      %swap3A_244 = tpu.vector_load %arg5[%swap3A_242, %swap3A_243] {strides = array<i32>} : memref<8x16xf32, #tpu.memory_space<vmem>>, vector<1x16xf32>,
      %swap3A_245 = vector.shape_cast %swap3A_244 : vector<1x16xf32> to vector<16xf32>
      %swap3A_246 = vector.shape_cast %add3A_240 : vector<16xf32> to vector<1x16xf32>
      tpu.vector_store %arg5[%swap3A_242, %swap3A_243], %swap3A_246 {strides = array<i32>} : memref<8x16xf32, #tpu.memory_space<vmem>>, vector<1x16xf32>,
      %eq3A_247 = arith.constant 3 : i32
      %eq3A_248 = vector.broadcast %eq3A_247 : i32 to vector<16xi32>
      %eq3A_249 = arith.cmpi eq, %select_n3A_83, %eq3A_248 : vector<16xi32>
      %select_n3A_250 = arith.select %eq3A_249, %sub3A_202, %broadcast_in_dim3A_6 : vector<16xi1>, vector<16xf32>
      %eq3A_251 = arith.constant 3 : i32
      %eq3A_252 = vector.broadcast %eq3A_251 : i32 to vector<16xi32>
      %eq3A_253 = arith.cmpi eq, %select_n3A_196, %eq3A_252 : vector<16xi32>
      %select_n3A_254 = arith.select %eq3A_253, %div3A, %broadcast_in_dim3A_6 : vector<16xi1>, vector<16xf32>
      %add3A_255 = arith.addf %select_n3A_250, %select_n3A_254 : vector<16xf32>
      %swap3A_256 = arith.constant 3 : i32
      %swap3A_257 = arith.index_cast %swap3A_256 : i32 to index
      %swap3A_258 = arith.constant 0 : index
      %swap3A_259 = tpu.vector_load %arg5[%swap3A_257, %swap3A_258] {strides = array<i32>} : memref<8x16xf32, #tpu.memory_space<vmem>>, vector<1x16xf32>,
      %swap3A_260 = vector.shape_cast %swap3A_259 : vector<1x16xf32> to vector<16xf32>
      %swap3A_261 = vector.shape_cast %add3A_255 : vector<16xf32> to vector<1x16xf32>
      tpu.vector_store %arg5[%swap3A_257, %swap3A_258], %swap3A_261 {strides = array<i32>} : memref<8x16xf32, #tpu.memory_space<vmem>>, vector<1x16xf32>,
      %eq3A_262 = arith.constant 4 : i32
      %eq3A_263 = vector.broadcast %eq3A_262 : i32 to vector<16xi32>
      %eq3A_264 = arith.cmpi eq, %select_n3A_83, %eq3A_263 : vector<16xi32>
      %select_n3A_265 = arith.select %eq3A_264, %sub3A_202, %broadcast_in_dim3A_6 : vector<16xi1>, vector<16xf32>
      %eq3A_266 = arith.constant 4 : i32
      %eq3A_267 = vector.broadcast %eq3A_266 : i32 to vector<16xi32>
      %eq3A_268 = arith.cmpi eq, %select_n3A_196, %eq3A_267 : vector<16xi32>
      %select_n3A_269 = arith.select %eq3A_268, %div3A, %broadcast_in_dim3A_6 : vector<16xi1>, vector<16xf32>
      %add3A_270 = arith.addf %select_n3A_265, %select_n3A_269 : vector<16xf32>
      %swap3A_271 = arith.constant 4 : i32
      %swap3A_272 = arith.index_cast %swap3A_271 : i32 to index
      %swap3A_273 = arith.constant 0 : index
      %swap3A_274 = tpu.vector_load %arg5[%swap3A_272, %swap3A_273] {strides = array<i32>} : memref<8x16xf32, #tpu.memory_space<vmem>>, vector<1x16xf32>,
      %swap3A_275 = vector.shape_cast %swap3A_274 : vector<1x16xf32> to vector<16xf32>
      %swap3A_276 = vector.shape_cast %add3A_270 : vector<16xf32> to vector<1x16xf32>
      tpu.vector_store %arg5[%swap3A_272, %swap3A_273], %swap3A_276 {strides = array<i32>} : memref<8x16xf32, #tpu.memory_space<vmem>>, vector<1x16xf32>,
      %eq3A_277 = arith.constant 5 : i32
      %eq3A_278 = vector.broadcast %eq3A_277 : i32 to vector<16xi32>
      %eq3A_279 = arith.cmpi eq, %select_n3A_83, %eq3A_278 : vector<16xi32>
      %select_n3A_280 = arith.select %eq3A_279, %sub3A_202, %broadcast_in_dim3A_6 : vector<16xi1>, vector<16xf32>
      %eq3A_281 = arith.constant 5 : i32
      %eq3A_282 = vector.broadcast %eq3A_281 : i32 to vector<16xi32>
      %eq3A_283 = arith.cmpi eq, %select_n3A_196, %eq3A_282 : vector<16xi32>
      %select_n3A_284 = arith.select %eq3A_283, %div3A, %broadcast_in_dim3A_6 : vector<16xi1>, vector<16xf32>
      %add3A_285 = arith.addf %select_n3A_280, %select_n3A_284 : vector<16xf32>
      %swap3A_286 = arith.constant 5 : i32
      %swap3A_287 = arith.index_cast %swap3A_286 : i32 to index
      %swap3A_288 = arith.constant 0 : index
      %swap3A_289 = tpu.vector_load %arg5[%swap3A_287, %swap3A_288] {strides = array<i32>} : memref<8x16xf32, #tpu.memory_space<vmem>>, vector<1x16xf32>,
      %swap3A_290 = vector.shape_cast %swap3A_289 : vector<1x16xf32> to vector<16xf32>
      %swap3A_291 = vector.shape_cast %add3A_285 : vector<16xf32> to vector<1x16xf32>
      tpu.vector_store %arg5[%swap3A_287, %swap3A_288], %swap3A_291 {strides = array<i32>} : memref<8x16xf32, #tpu.memory_space<vmem>>, vector<1x16xf32>,
      %eq3A_292 = arith.constant 6 : i32
      %eq3A_293 = vector.broadcast %eq3A_292 : i32 to vector<16xi32>
      %eq3A_294 = arith.cmpi eq, %select_n3A_83, %eq3A_293 : vector<16xi32>
      %select_n3A_295 = arith.select %eq3A_294, %sub3A_202, %broadcast_in_dim3A_6 : vector<16xi1>, vector<16xf32>
      %eq3A_296 = arith.constant 6 : i32
      %eq3A_297 = vector.broadcast %eq3A_296 : i32 to vector<16xi32>
      %eq3A_298 = arith.cmpi eq, %select_n3A_196, %eq3A_297 : vector<16xi32>
      %select_n3A_299 = arith.select %eq3A_298, %div3A, %broadcast_in_dim3A_6 : vector<16xi1>, vector<16xf32>
      %add3A_300 = arith.addf %select_n3A_295, %select_n3A_299 : vector<16xf32>
      %swap3A_301 = arith.constant 6 : i32
      %swap3A_302 = arith.index_cast %swap3A_301 : i32 to index
      %swap3A_303 = arith.constant 0 : index
      %swap3A_304 = tpu.vector_load %arg5[%swap3A_302, %swap3A_303] {strides = array<i32>} : memref<8x16xf32, #tpu.memory_space<vmem>>, vector<1x16xf32>,
      %swap3A_305 = vector.shape_cast %swap3A_304 : vector<1x16xf32> to vector<16xf32>
      %swap3A_306 = vector.shape_cast %add3A_300 : vector<16xf32> to vector<1x16xf32>
      tpu.vector_store %arg5[%swap3A_302, %swap3A_303], %swap3A_306 {strides = array<i32>} : memref<8x16xf32, #tpu.memory_space<vmem>>, vector<1x16xf32>,
      %eq3A_307 = arith.constant 7 : i32
      %eq3A_308 = vector.broadcast %eq3A_307 : i32 to vector<16xi32>
      %eq3A_309 = arith.cmpi eq, %select_n3A_83, %eq3A_308 : vector<16xi32>
      %select_n3A_310 = arith.select %eq3A_309, %sub3A_202, %broadcast_in_dim3A_6 : vector<16xi1>, vector<16xf32>
      %eq3A_311 = arith.constant 7 : i32
      %eq3A_312 = vector.broadcast %eq3A_311 : i32 to vector<16xi32>
      %eq3A_313 = arith.cmpi eq, %select_n3A_196, %eq3A_312 : vector<16xi32>
      %select_n3A_314 = arith.select %eq3A_313, %div3A, %broadcast_in_dim3A_6 : vector<16xi1>, vector<16xf32>
      %add3A_315 = arith.addf %select_n3A_310, %select_n3A_314 : vector<16xf32>
      %swap3A_316 = arith.constant 7 : i32
      %swap3A_317 = arith.index_cast %swap3A_316 : i32 to index
      %swap3A_318 = arith.constant 0 : index
      %swap3A_319 = tpu.vector_load %arg5[%swap3A_317, %swap3A_318] {strides = array<i32>} : memref<8x16xf32, #tpu.memory_space<vmem>>, vector<1x16xf32>,
      %swap3A_320 = vector.shape_cast %swap3A_319 : vector<1x16xf32> to vector<16xf32>
      %swap3A_321 = vector.shape_cast %add3A_315 : vector<16xf32> to vector<1x16xf32>
      tpu.vector_store %arg5[%swap3A_317, %swap3A_318], %swap3A_321 {strides = array<i32>} : memref<8x16xf32, #tpu.memory_space<vmem>>, vector<1x16xf32>,
      "tpu.region"() ({
        %run_scoped3A = tpu.sem_alloc : memref<!tpu.dma_semaphore, #tpu.memory_space<semaphore_mem>>
        tpu.enqueue_dma source(%arg5 : memref<8x16xf32, #tpu.memory_space<vmem>>) target(%arg3 : memref<8x16xf32, #tpu.memory_space<hbm>>) target_semaphore(%run_scoped3A : memref<!tpu.dma_semaphore, #tpu.memory_space<semaphore_mem>>)
        tpu.wait_dma2 semaphore(%run_scoped3A : memref<!tpu.dma_semaphore, #tpu.memory_space<semaphore_mem>>) src(%arg5 : memref<8x16xf32, #tpu.memory_space<vmem>>) dst(%arg3 : memref<8x16xf32, #tpu.memory_space<hbm>>)
        tpu.yield
      }) : () -> ()
    } else {
    }
    return
  }
}

module attributes {stable_mosaic.version = 14 : i64} {
  func.func @_attn_body(%arg0: i32, %arg1: memref<1x1xi32, #tpu.memory_space<smem>>, %arg2: memref<1x1x1024xf32, #tpu.memory_space<vmem>>, %arg3: memref<2x1x4x2048x128xbf16, #tpu.memory_space<vmem>>, %arg4: memref<1024x1024xf32, #tpu.memory_space<vmem>>, %arg5: memref<512x1024xf32, #tpu.memory_space<vmem>>, %arg6: memref<512x1024xf32, #tpu.memory_space<vmem>>, %arg7: memref<1024x1024xf32, #tpu.memory_space<vmem>>, %arg8: memref<8x1024xf32, #tpu.memory_space<vmem>>, %arg9: memref<1x1024xf32, #tpu.memory_space<vmem>>, %arg10: memref<1x1024xf32, #tpu.memory_space<vmem>>, %arg11: memref<1x1024xf32, #tpu.memory_space<vmem>>, %arg12: memref<1x1024xf32, #tpu.memory_space<vmem>>, %arg13: memref<1x2048xf32, #tpu.memory_space<vmem>>, %arg14: memref<1x1x1024xf32, #tpu.memory_space<vmem>>, %arg15: memref<1x1x1024xf32, #tpu.memory_space<vmem>>, %arg16: memref<1x1x8xf32, #tpu.memory_space<vmem>>) attributes {dimension_semantics = [#tpu.dimension_semantics<arbitrary>], iteration_bounds = array<i64: 16>, scalar_prefetch = 0 : i64, scratch_operands = 0 : i64, tpu.core_type = #tpu.core_type<tc>, window_params = [{transform_indices = @transform_0, window_bounds = array<i64: 1, 1>}, {transform_indices = @transform_1, window_bounds = array<i64: 1, 1, 1024>}, {transform_indices = @transform_2, window_bounds = array<i64: 2, 1, 4, 2048, 128>}, {pipeline_mode = #tpu.pipeline_mode<synchronous>, transform_indices = @transform_3, window_bounds = array<i64: 1024, 1024>}, {pipeline_mode = #tpu.pipeline_mode<synchronous>, transform_indices = @transform_4, window_bounds = array<i64: 512, 1024>}, {pipeline_mode = #tpu.pipeline_mode<synchronous>, transform_indices = @transform_5, window_bounds = array<i64: 512, 1024>}, {pipeline_mode = #tpu.pipeline_mode<synchronous>, transform_indices = @transform_6, window_bounds = array<i64: 1024, 1024>}, {pipeline_mode = #tpu.pipeline_mode<synchronous>, transform_indices = @transform_7, window_bounds = array<i64: 8, 1024>}, {pipeline_mode = #tpu.pipeline_mode<synchronous>, transform_indices = @transform_8, window_bounds = array<i64: 1, 1024>}, {pipeline_mode = #tpu.pipeline_mode<synchronous>, transform_indices = @transform_9, window_bounds = array<i64: 1, 1024>}, {pipeline_mode = #tpu.pipeline_mode<synchronous>, transform_indices = @transform_10, window_bounds = array<i64: 1, 1024>}, {pipeline_mode = #tpu.pipeline_mode<synchronous>, transform_indices = @transform_11, window_bounds = array<i64: 1, 1024>}, {pipeline_mode = #tpu.pipeline_mode<synchronous>, transform_indices = @transform_12, window_bounds = array<i64: 1, 2048>}, {transform_indices = @transform_13, window_bounds = array<i64: 1, 1, 1024>}, {transform_indices = @transform_14, window_bounds = array<i64: 1, 1, 1024>}, {transform_indices = @transform_15, window_bounds = array<i64: 1, 1, 8>}]} {
    %get3A = arith.constant 0 : index
    %get3A_0 = arith.constant 0 : index
    %get3A_1 = arith.constant 0 : index
    %get3A_2 = vector.load %arg2[%get3A, %get3A_0, %get3A_1] : memref<1x1x1024xf32, #tpu.memory_space<vmem>>, vector<1x1x1024xf32>
    %get3A_3 = vector.shape_cast %get3A_2 : vector<1x1x1024xf32> to vector<1x1024xf32>
    %mul3A = arith.mulf %get3A_3, %get3A_3 : vector<1x1024xf32>
    %reduce_sum3A = vector.shape_cast %mul3A : vector<1x1024xf32> to vector<1x1x1024xf32>
    %reduce_sum3A_4 = arith.constant dense<0.000000e+00> : vector<1xf32>
    %reduce_sum3A_5 = vector.multi_reduction <add>, %reduce_sum3A, %reduce_sum3A_4 [1, 2] : vector<1x1x1024xf32> to vector<1xf32>
    %reduce_sum3A_6 = vector.shape_cast %reduce_sum3A_5 : vector<1xf32> to vector<1x1x1xf32>
    %reduce_sum3A_7 = vector.extract %reduce_sum3A_6[0, 0, 0] : f32 from vector<1x1x1xf32>
    %div3A = arith.constant 1.024000e+03 : f32
    %div3A_8 = arith.divf %reduce_sum3A_7, %div3A : f32
    %add3A = arith.constant 9.99999997E-7 : f32
    %add3A_9 = arith.addf %div3A_8, %add3A : f32
    %rsqrt3A = math.rsqrt %add3A_9 : f32
    %mul3A_10 = vector.broadcast %rsqrt3A : f32 to vector<1x1024xf32>
    %mul3A_11 = arith.mulf %get3A_3, %mul3A_10 : vector<1x1024xf32>
    %get3A_12 = arith.constant 0 : index
    %get3A_13 = arith.constant 0 : index
    %get3A_14 = vector.load %arg9[%get3A_12, %get3A_13] : memref<1x1024xf32, #tpu.memory_space<vmem>>, vector<1x1024xf32>
    %mul3A_15 = arith.mulf %mul3A_11, %get3A_14 : vector<1x1024xf32>
    %get3A_16 = arith.constant 0 : index
    %get3A_17 = arith.constant 0 : index
    %get3A_18 = vector.load %arg4[%get3A_16, %get3A_17] : memref<1024x1024xf32, #tpu.memory_space<vmem>>, vector<1024x1024xf32>
    %dot_general3A = arith.constant dense<0.000000e+00> : vector<1x1024xf32>
    %dot_general3A_19 = tpu.matmul %mul3A_15, %get3A_18, %dot_general3A {dimension_numbers = #tpu.dot_dimension_numbers<[1], [1], [0], [0], [0, 0, 1, 0], [], []>, transpose_lhs_hint = false} : vector<1x1024xf32>, vector<1024x1024xf32>, vector<1x1024xf32> -> vector<1x1024xf32>
    %get3A_20 = arith.constant 0 : index
    %get3A_21 = arith.constant 0 : index
    %get3A_22 = vector.load %arg5[%get3A_20, %get3A_21] : memref<512x1024xf32, #tpu.memory_space<vmem>>, vector<512x1024xf32>
    %dot_general3A_23 = arith.constant dense<0.000000e+00> : vector<1x512xf32>
    %dot_general3A_24 = tpu.matmul %mul3A_15, %get3A_22, %dot_general3A_23 {dimension_numbers = #tpu.dot_dimension_numbers<[1], [1], [0], [0], [0, 0, 1, 0], [], []>, transpose_lhs_hint = false} : vector<1x1024xf32>, vector<512x1024xf32>, vector<1x512xf32> -> vector<1x512xf32>
    %get3A_25 = arith.constant 0 : index
    %get3A_26 = arith.constant 0 : index
    %get3A_27 = vector.load %arg6[%get3A_25, %get3A_26] : memref<512x1024xf32, #tpu.memory_space<vmem>>, vector<512x1024xf32>
    %dot_general3A_28 = arith.constant dense<0.000000e+00> : vector<1x512xf32>
    %dot_general3A_29 = tpu.matmul %mul3A_15, %get3A_27, %dot_general3A_28 {dimension_numbers = #tpu.dot_dimension_numbers<[1], [1], [0], [0], [0, 0, 1, 0], [], []>, transpose_lhs_hint = false} : vector<1x1024xf32>, vector<512x1024xf32>, vector<1x512xf32> -> vector<1x512xf32>
    %get3A_30 = arith.constant 0 : index
    %get3A_31 = arith.constant 0 : index
    %get3A_32 = vector.load %arg11[%get3A_30, %get3A_31] : memref<1x1024xf32, #tpu.memory_space<vmem>>, vector<1x1024xf32>
    %get3A_33 = arith.constant 0 : index
    %get3A_34 = arith.constant 0 : index
    %get3A_35 = vector.load %arg12[%get3A_33, %get3A_34] : memref<1x1024xf32, #tpu.memory_space<vmem>>, vector<1x1024xf32>
    %iota3A = tpu.iota {dimensions = array<i32: 1>} : vector<1x1024xi32>
    %jit3A = arith.constant 2 : i32
    %eq3A = arith.constant 0 : i32
    %eq3A_36 = arith.cmpi eq, %jit3A, %eq3A : i32
    %jit3A_37 = arith.constant 1 : i32
    %select_n3A = arith.select %eq3A_36, %jit3A_37, %jit3A : i32
    %rem3A = vector.broadcast %select_n3A : i32 to vector<1x1024xi32>
    %rem3A_38 = arith.remsi %iota3A, %rem3A : vector<1x1024xi32>
    %ne3A = arith.constant 0 : i32
    %ne3A_39 = vector.broadcast %ne3A : i32 to vector<1x1024xi32>
    %ne3A_40 = arith.cmpi ne, %rem3A_38, %ne3A_39 : vector<1x1024xi32>
    %lt3A = arith.constant 0 : i32
    %lt3A_41 = vector.broadcast %lt3A : i32 to vector<1x1024xi32>
    %lt3A_42 = arith.cmpi slt, %rem3A_38, %lt3A_41 : vector<1x1024xi32>
    %lt3A_43 = arith.constant 0 : i32
    %lt3A_44 = arith.cmpi slt, %select_n3A, %lt3A_43 : i32
    %ne3A_45 = vector.broadcast %lt3A_44 : i1 to vector<1x1024xi1>
    %ne3A_46 = vector.broadcast %ne3A_45 : vector<1x1024xi1> to vector<1x1024xi1>
    %ne3A_47 = arith.xori %lt3A_42, %ne3A_46 : vector<1x1024xi1>
    %and3A = arith.andi %ne3A_47, %ne3A_40 : vector<1x1024xi1>
    %add3A_48 = vector.broadcast %select_n3A : i32 to vector<1x1024xi32>
    %add3A_49 = arith.addi %rem3A_38, %add3A_48 : vector<1x1024xi32>
    %select_n3A_50 = arith.select %and3A, %add3A_49, %rem3A_38 : vector<1x1024xi1>, vector<1x1024xi32>
    %eq3A_51 = arith.constant 0 : i32
    %eq3A_52 = vector.broadcast %eq3A_51 : i32 to vector<1x1024xi32>
    %eq3A_53 = arith.cmpi eq, %select_n3A_50, %eq3A_52 : vector<1x1024xi32>
    %roll3A = arith.constant 1023 : i32
    %roll3A_54 = tpu.dynamic_rotate %dot_general3A_19 by %roll3A dim 1 : vector<1x1024xf32>, i32 -> vector<1x1024xf32>
    %neg3A = arith.constant 0.000000e+00 : f32
    %neg3A_55 = vector.broadcast %neg3A : f32 to vector<1x1024xf32>
    %neg3A_56 = arith.subf %neg3A_55, %roll3A_54 : vector<1x1024xf32>
    %roll3A_57 = arith.constant 1 : i32
    %roll3A_58 = tpu.dynamic_rotate %dot_general3A_19 by %roll3A_57 dim 1 : vector<1x1024xf32>, i32 -> vector<1x1024xf32>
    %select_n3A_59 = arith.select %eq3A_53, %neg3A_56, %roll3A_58 : vector<1x1024xi1>, vector<1x1024xf32>
    %mul3A_60 = arith.mulf %dot_general3A_19, %get3A_32 : vector<1x1024xf32>
    %mul3A_61 = arith.mulf %select_n3A_59, %get3A_35 : vector<1x1024xf32>
    %add3A_62 = arith.addf %mul3A_60, %mul3A_61 : vector<1x1024xf32>
    %slice3A = vector.extract_strided_slice %eq3A_53 {offsets = [0, 0], sizes = [1, 512], strides = [1, 1]} : vector<1x1024xi1> to vector<1x512xi1>
    %roll3A_63 = arith.constant 511 : i32
    %roll3A_64 = tpu.dynamic_rotate %dot_general3A_24 by %roll3A_63 dim 1 : vector<1x512xf32>, i32 -> vector<1x512xf32>
    %neg3A_65 = arith.constant 0.000000e+00 : f32
    %neg3A_66 = vector.broadcast %neg3A_65 : f32 to vector<1x512xf32>
    %neg3A_67 = arith.subf %neg3A_66, %roll3A_64 : vector<1x512xf32>
    %roll3A_68 = arith.constant 1 : i32
    %roll3A_69 = tpu.dynamic_rotate %dot_general3A_24 by %roll3A_68 dim 1 : vector<1x512xf32>, i32 -> vector<1x512xf32>
    %select_n3A_70 = arith.select %slice3A, %neg3A_67, %roll3A_69 : vector<1x512xi1>, vector<1x512xf32>
    %slice3A_71 = vector.extract_strided_slice %get3A_32 {offsets = [0, 0], sizes = [1, 512], strides = [1, 1]} : vector<1x1024xf32> to vector<1x512xf32>
    %mul3A_72 = arith.mulf %dot_general3A_24, %slice3A_71 : vector<1x512xf32>
    %slice3A_73 = vector.extract_strided_slice %get3A_35 {offsets = [0, 0], sizes = [1, 512], strides = [1, 1]} : vector<1x1024xf32> to vector<1x512xf32>
    %mul3A_74 = arith.mulf %select_n3A_70, %slice3A_73 : vector<1x512xf32>
    %add3A_75 = arith.addf %mul3A_72, %mul3A_74 : vector<1x512xf32>
    %get3A_76 = arith.constant 0 : index
    %get3A_77 = arith.constant 0 : index
    %get3A_78 = arith.constant 0 : index
    %get3A_79 = arith.constant 0 : index
    %get3A_80 = arith.constant 0 : index
    %get3A_81 = vector.load %arg3[%get3A_76, %get3A_77, %get3A_78, %get3A_79, %get3A_80] : memref<2x1x4x2048x128xbf16, #tpu.memory_space<vmem>>, vector<1x1x4x2048x128xbf16>
    %get3A_82 = vector.shape_cast %get3A_81 : vector<1x1x4x2048x128xbf16> to vector<4x2048x128xbf16>
    %get3A_83 = arith.constant 1 : index
    %get3A_84 = arith.constant 0 : index
    %get3A_85 = arith.constant 0 : index
    %get3A_86 = arith.constant 0 : index
    %get3A_87 = arith.constant 0 : index
    %get3A_88 = vector.load %arg3[%get3A_83, %get3A_84, %get3A_85, %get3A_86, %get3A_87] : memref<2x1x4x2048x128xbf16, #tpu.memory_space<vmem>>, vector<1x1x4x2048x128xbf16>
    %get3A_89 = vector.shape_cast %get3A_88 : vector<1x1x4x2048x128xbf16> to vector<4x2048x128xbf16>
    %get3A_90 = arith.constant 0 : index
    %get3A_91 = arith.constant 0 : index
    %get3A_92 = memref.load %arg1[%get3A_90, %get3A_91] : memref<1x1xi32, #tpu.memory_space<smem>>
    %iota3A_93 = tpu.iota {dimensions = array<i32: 1>} : vector<1x2048xi32>
    %eq3A_94 = vector.broadcast %get3A_92 : i32 to vector<1x2048xi32>
    %eq3A_95 = arith.cmpi eq, %iota3A_93, %eq3A_94 : vector<1x2048xi32>
    %get3A_96 = arith.constant 0 : index
    %get3A_97 = arith.constant 0 : index
    %get3A_98 = vector.load %arg13[%get3A_96, %get3A_97] : memref<1x2048xf32, #tpu.memory_space<vmem>>, vector<1x2048xf32>
    %mul3A_99 = arith.constant 8.000000e+00 : f32
    %mul3A_100 = vector.broadcast %mul3A_99 : f32 to vector<1x1024xf32>
    %mul3A_101 = arith.mulf %add3A_62, %mul3A_100 : vector<1x1024xf32>
    %convert_element_type3A = arith.truncf %mul3A_101 : vector<1x1024xf32> to vector<1x1024xbf16>
    %broadcast_in_dim3A = arith.constant 0.000000e+00 : bf16
    %broadcast_in_dim3A_102 = vector.broadcast %broadcast_in_dim3A : bf16 to vector<1x64xbf16>
    %slice3A_103 = vector.extract_strided_slice %convert_element_type3A {offsets = [0, 0], sizes = [1, 64], strides = [1, 1]} : vector<1x1024xbf16> to vector<1x64xbf16>
    %concatenate3A = tpu.concatenate %slice3A_103, %broadcast_in_dim3A_102 in 1 : vector<1x64xbf16>, vector<1x64xbf16> -> vector<1x128xbf16>
    %slice3A_104 = vector.extract_strided_slice %convert_element_type3A {offsets = [0, 64], sizes = [1, 64], strides = [1, 1]} : vector<1x1024xbf16> to vector<1x64xbf16>
    %concatenate3A_105 = tpu.concatenate %slice3A_104, %broadcast_in_dim3A_102 in 1 : vector<1x64xbf16>, vector<1x64xbf16> -> vector<1x128xbf16>
    %slice3A_106 = vector.extract_strided_slice %convert_element_type3A {offsets = [0, 128], sizes = [1, 64], strides = [1, 1]} : vector<1x1024xbf16> to vector<1x64xbf16>
    %concatenate3A_107 = tpu.concatenate %broadcast_in_dim3A_102, %slice3A_106 in 1 : vector<1x64xbf16>, vector<1x64xbf16> -> vector<1x128xbf16>
    %slice3A_108 = vector.extract_strided_slice %convert_element_type3A {offsets = [0, 192], sizes = [1, 64], strides = [1, 1]} : vector<1x1024xbf16> to vector<1x64xbf16>
    %concatenate3A_109 = tpu.concatenate %broadcast_in_dim3A_102, %slice3A_108 in 1 : vector<1x64xbf16>, vector<1x64xbf16> -> vector<1x128xbf16>
    %concatenate3A_110 = tpu.concatenate %concatenate3A, %concatenate3A_105, %concatenate3A_107, %concatenate3A_109 in 0 : vector<1x128xbf16>, vector<1x128xbf16>, vector<1x128xbf16>, vector<1x128xbf16> -> vector<4x128xbf16>
    %slice3A_111 = vector.extract_strided_slice %get3A_82 {offsets = [0, 0, 0], sizes = [1, 2048, 128], strides = [1, 1, 1]} : vector<4x2048x128xbf16> to vector<1x2048x128xbf16>
    %squeeze3A = vector.shape_cast %slice3A_111 : vector<1x2048x128xbf16> to vector<2048x128xbf16>
    %dot_general3A_112 = arith.constant dense<0.000000e+00> : vector<4x2048xf32>
    %dot_general3A_113 = tpu.matmul %concatenate3A_110, %squeeze3A, %dot_general3A_112 {dimension_numbers = #tpu.dot_dimension_numbers<[1], [1], [0], [0], [0, 0, 1, 0], [], []>, transpose_lhs_hint = false} : vector<4x128xbf16>, vector<2048x128xbf16>, vector<4x2048xf32> -> vector<4x2048xf32>
    %slice3A_114 = vector.extract_strided_slice %convert_element_type3A {offsets = [0, 256], sizes = [1, 64], strides = [1, 1]} : vector<1x1024xbf16> to vector<1x64xbf16>
    %concatenate3A_115 = tpu.concatenate %slice3A_114, %broadcast_in_dim3A_102 in 1 : vector<1x64xbf16>, vector<1x64xbf16> -> vector<1x128xbf16>
    %slice3A_116 = vector.extract_strided_slice %convert_element_type3A {offsets = [0, 320], sizes = [1, 64], strides = [1, 1]} : vector<1x1024xbf16> to vector<1x64xbf16>
    %concatenate3A_117 = tpu.concatenate %slice3A_116, %broadcast_in_dim3A_102 in 1 : vector<1x64xbf16>, vector<1x64xbf16> -> vector<1x128xbf16>
    %slice3A_118 = vector.extract_strided_slice %convert_element_type3A {offsets = [0, 384], sizes = [1, 64], strides = [1, 1]} : vector<1x1024xbf16> to vector<1x64xbf16>
    %concatenate3A_119 = tpu.concatenate %broadcast_in_dim3A_102, %slice3A_118 in 1 : vector<1x64xbf16>, vector<1x64xbf16> -> vector<1x128xbf16>
    %slice3A_120 = vector.extract_strided_slice %convert_element_type3A {offsets = [0, 448], sizes = [1, 64], strides = [1, 1]} : vector<1x1024xbf16> to vector<1x64xbf16>
    %concatenate3A_121 = tpu.concatenate %broadcast_in_dim3A_102, %slice3A_120 in 1 : vector<1x64xbf16>, vector<1x64xbf16> -> vector<1x128xbf16>
    %concatenate3A_122 = tpu.concatenate %concatenate3A_115, %concatenate3A_117, %concatenate3A_119, %concatenate3A_121 in 0 : vector<1x128xbf16>, vector<1x128xbf16>, vector<1x128xbf16>, vector<1x128xbf16> -> vector<4x128xbf16>
    %slice3A_123 = vector.extract_strided_slice %get3A_82 {offsets = [1, 0, 0], sizes = [1, 2048, 128], strides = [1, 1, 1]} : vector<4x2048x128xbf16> to vector<1x2048x128xbf16>
    %squeeze3A_124 = vector.shape_cast %slice3A_123 : vector<1x2048x128xbf16> to vector<2048x128xbf16>
    %dot_general3A_125 = arith.constant dense<0.000000e+00> : vector<4x2048xf32>
    %dot_general3A_126 = tpu.matmul %concatenate3A_122, %squeeze3A_124, %dot_general3A_125 {dimension_numbers = #tpu.dot_dimension_numbers<[1], [1], [0], [0], [0, 0, 1, 0], [], []>, transpose_lhs_hint = false} : vector<4x128xbf16>, vector<2048x128xbf16>, vector<4x2048xf32> -> vector<4x2048xf32>
    %slice3A_127 = vector.extract_strided_slice %convert_element_type3A {offsets = [0, 512], sizes = [1, 64], strides = [1, 1]} : vector<1x1024xbf16> to vector<1x64xbf16>
    %concatenate3A_128 = tpu.concatenate %slice3A_127, %broadcast_in_dim3A_102 in 1 : vector<1x64xbf16>, vector<1x64xbf16> -> vector<1x128xbf16>
    %slice3A_129 = vector.extract_strided_slice %convert_element_type3A {offsets = [0, 576], sizes = [1, 64], strides = [1, 1]} : vector<1x1024xbf16> to vector<1x64xbf16>
    %concatenate3A_130 = tpu.concatenate %slice3A_129, %broadcast_in_dim3A_102 in 1 : vector<1x64xbf16>, vector<1x64xbf16> -> vector<1x128xbf16>
    %slice3A_131 = vector.extract_strided_slice %convert_element_type3A {offsets = [0, 640], sizes = [1, 64], strides = [1, 1]} : vector<1x1024xbf16> to vector<1x64xbf16>
    %concatenate3A_132 = tpu.concatenate %broadcast_in_dim3A_102, %slice3A_131 in 1 : vector<1x64xbf16>, vector<1x64xbf16> -> vector<1x128xbf16>
    %slice3A_133 = vector.extract_strided_slice %convert_element_type3A {offsets = [0, 704], sizes = [1, 64], strides = [1, 1]} : vector<1x1024xbf16> to vector<1x64xbf16>
    %concatenate3A_134 = tpu.concatenate %broadcast_in_dim3A_102, %slice3A_133 in 1 : vector<1x64xbf16>, vector<1x64xbf16> -> vector<1x128xbf16>
    %concatenate3A_135 = tpu.concatenate %concatenate3A_128, %concatenate3A_130, %concatenate3A_132, %concatenate3A_134 in 0 : vector<1x128xbf16>, vector<1x128xbf16>, vector<1x128xbf16>, vector<1x128xbf16> -> vector<4x128xbf16>
    %slice3A_136 = vector.extract_strided_slice %get3A_82 {offsets = [2, 0, 0], sizes = [1, 2048, 128], strides = [1, 1, 1]} : vector<4x2048x128xbf16> to vector<1x2048x128xbf16>
    %squeeze3A_137 = vector.shape_cast %slice3A_136 : vector<1x2048x128xbf16> to vector<2048x128xbf16>
    %dot_general3A_138 = arith.constant dense<0.000000e+00> : vector<4x2048xf32>
    %dot_general3A_139 = tpu.matmul %concatenate3A_135, %squeeze3A_137, %dot_general3A_138 {dimension_numbers = #tpu.dot_dimension_numbers<[1], [1], [0], [0], [0, 0, 1, 0], [], []>, transpose_lhs_hint = false} : vector<4x128xbf16>, vector<2048x128xbf16>, vector<4x2048xf32> -> vector<4x2048xf32>
    %slice3A_140 = vector.extract_strided_slice %convert_element_type3A {offsets = [0, 768], sizes = [1, 64], strides = [1, 1]} : vector<1x1024xbf16> to vector<1x64xbf16>
    %concatenate3A_141 = tpu.concatenate %slice3A_140, %broadcast_in_dim3A_102 in 1 : vector<1x64xbf16>, vector<1x64xbf16> -> vector<1x128xbf16>
    %slice3A_142 = vector.extract_strided_slice %convert_element_type3A {offsets = [0, 832], sizes = [1, 64], strides = [1, 1]} : vector<1x1024xbf16> to vector<1x64xbf16>
    %concatenate3A_143 = tpu.concatenate %slice3A_142, %broadcast_in_dim3A_102 in 1 : vector<1x64xbf16>, vector<1x64xbf16> -> vector<1x128xbf16>
    %slice3A_144 = vector.extract_strided_slice %convert_element_type3A {offsets = [0, 896], sizes = [1, 64], strides = [1, 1]} : vector<1x1024xbf16> to vector<1x64xbf16>
    %concatenate3A_145 = tpu.concatenate %broadcast_in_dim3A_102, %slice3A_144 in 1 : vector<1x64xbf16>, vector<1x64xbf16> -> vector<1x128xbf16>
    %slice3A_146 = vector.extract_strided_slice %convert_element_type3A {offsets = [0, 960], sizes = [1, 64], strides = [1, 1]} : vector<1x1024xbf16> to vector<1x64xbf16>
    %concatenate3A_147 = tpu.concatenate %broadcast_in_dim3A_102, %slice3A_146 in 1 : vector<1x64xbf16>, vector<1x64xbf16> -> vector<1x128xbf16>
    %concatenate3A_148 = tpu.concatenate %concatenate3A_141, %concatenate3A_143, %concatenate3A_145, %concatenate3A_147 in 0 : vector<1x128xbf16>, vector<1x128xbf16>, vector<1x128xbf16>, vector<1x128xbf16> -> vector<4x128xbf16>
    %slice3A_149 = vector.extract_strided_slice %get3A_82 {offsets = [3, 0, 0], sizes = [1, 2048, 128], strides = [1, 1, 1]} : vector<4x2048x128xbf16> to vector<1x2048x128xbf16>
    %squeeze3A_150 = vector.shape_cast %slice3A_149 : vector<1x2048x128xbf16> to vector<2048x128xbf16>
    %dot_general3A_151 = arith.constant dense<0.000000e+00> : vector<4x2048xf32>
    %dot_general3A_152 = tpu.matmul %concatenate3A_148, %squeeze3A_150, %dot_general3A_151 {dimension_numbers = #tpu.dot_dimension_numbers<[1], [1], [0], [0], [0, 0, 1, 0], [], []>, transpose_lhs_hint = false} : vector<4x128xbf16>, vector<2048x128xbf16>, vector<4x2048xf32> -> vector<4x2048xf32>
    %concatenate3A_153 = tpu.concatenate %dot_general3A_113, %dot_general3A_126, %dot_general3A_139, %dot_general3A_152 in 0 : vector<4x2048xf32>, vector<4x2048xf32>, vector<4x2048xf32>, vector<4x2048xf32> -> vector<16x2048xf32>
    %iota3A_154 = tpu.iota {dimensions = array<i32: 0>} : vector<16x1xi32>
    %broadcast_in_dim3A_155 = arith.constant 0.000000e+00 : f32
    %broadcast_in_dim3A_156 = vector.broadcast %broadcast_in_dim3A_155 : f32 to vector<16x1xf32>
    %slice3A_157 = vector.extract_strided_slice %mul3A_101 {offsets = [0, 0], sizes = [1, 64], strides = [1, 1]} : vector<1x1024xf32> to vector<1x64xf32>
    %slice3A_158 = vector.extract_strided_slice %add3A_75 {offsets = [0, 0], sizes = [1, 64], strides = [1, 1]} : vector<1x512xf32> to vector<1x64xf32>
    %mul3A_159 = arith.mulf %slice3A_157, %slice3A_158 : vector<1x64xf32>
    %reduce_sum3A_160 = vector.shape_cast %mul3A_159 : vector<1x64xf32> to vector<1x1x64xf32>
    %reduce_sum3A_161 = arith.constant dense<0.000000e+00> : vector<1xf32>
    %reduce_sum3A_162 = vector.multi_reduction <add>, %reduce_sum3A_160, %reduce_sum3A_161 [1, 2] : vector<1x1x64xf32> to vector<1xf32>
    %reduce_sum3A_163 = vector.shape_cast %reduce_sum3A_162 : vector<1xf32> to vector<1x1x1xf32>
    %reduce_sum3A_164 = vector.extract %reduce_sum3A_163[0, 0, 0] : f32 from vector<1x1x1xf32>
    %eq3A_165 = arith.constant 0 : i32
    %eq3A_166 = vector.broadcast %eq3A_165 : i32 to vector<16x1xi32>
    %eq3A_167 = arith.cmpi eq, %iota3A_154, %eq3A_166 : vector<16x1xi32>
    %broadcast_in_dim3A_168 = vector.broadcast %reduce_sum3A_164 : f32 to vector<16x1xf32>
    %select_n3A_169 = arith.select %eq3A_167, %broadcast_in_dim3A_168, %broadcast_in_dim3A_156 : vector<16x1xi1>, vector<16x1xf32>
    %slice3A_170 = vector.extract_strided_slice %mul3A_101 {offsets = [0, 64], sizes = [1, 64], strides = [1, 1]} : vector<1x1024xf32> to vector<1x64xf32>
    %slice3A_171 = vector.extract_strided_slice %add3A_75 {offsets = [0, 0], sizes = [1, 64], strides = [1, 1]} : vector<1x512xf32> to vector<1x64xf32>
    %mul3A_172 = arith.mulf %slice3A_170, %slice3A_171 : vector<1x64xf32>
    %reduce_sum3A_173 = vector.shape_cast %mul3A_172 : vector<1x64xf32> to vector<1x1x64xf32>
    %reduce_sum3A_174 = arith.constant dense<0.000000e+00> : vector<1xf32>
    %reduce_sum3A_175 = vector.multi_reduction <add>, %reduce_sum3A_173, %reduce_sum3A_174 [1, 2] : vector<1x1x64xf32> to vector<1xf32>
    %reduce_sum3A_176 = vector.shape_cast %reduce_sum3A_175 : vector<1xf32> to vector<1x1x1xf32>
    %reduce_sum3A_177 = vector.extract %reduce_sum3A_176[0, 0, 0] : f32 from vector<1x1x1xf32>
    %eq3A_178 = arith.constant 1 : i32
    %eq3A_179 = vector.broadcast %eq3A_178 : i32 to vector<16x1xi32>
    %eq3A_180 = arith.cmpi eq, %iota3A_154, %eq3A_179 : vector<16x1xi32>
    %broadcast_in_dim3A_181 = vector.broadcast %reduce_sum3A_177 : f32 to vector<16x1xf32>
    %select_n3A_182 = arith.select %eq3A_180, %broadcast_in_dim3A_181, %select_n3A_169 : vector<16x1xi1>, vector<16x1xf32>
    %slice3A_183 = vector.extract_strided_slice %mul3A_101 {offsets = [0, 128], sizes = [1, 64], strides = [1, 1]} : vector<1x1024xf32> to vector<1x64xf32>
    %slice3A_184 = vector.extract_strided_slice %add3A_75 {offsets = [0, 64], sizes = [1, 64], strides = [1, 1]} : vector<1x512xf32> to vector<1x64xf32>
    %mul3A_185 = arith.mulf %slice3A_183, %slice3A_184 : vector<1x64xf32>
    %reduce_sum3A_186 = vector.shape_cast %mul3A_185 : vector<1x64xf32> to vector<1x1x64xf32>
    %reduce_sum3A_187 = arith.constant dense<0.000000e+00> : vector<1xf32>
    %reduce_sum3A_188 = vector.multi_reduction <add>, %reduce_sum3A_186, %reduce_sum3A_187 [1, 2] : vector<1x1x64xf32> to vector<1xf32>
    %reduce_sum3A_189 = vector.shape_cast %reduce_sum3A_188 : vector<1xf32> to vector<1x1x1xf32>
    %reduce_sum3A_190 = vector.extract %reduce_sum3A_189[0, 0, 0] : f32 from vector<1x1x1xf32>
    %eq3A_191 = arith.constant 2 : i32
    %eq3A_192 = vector.broadcast %eq3A_191 : i32 to vector<16x1xi32>
    %eq3A_193 = arith.cmpi eq, %iota3A_154, %eq3A_192 : vector<16x1xi32>
    %broadcast_in_dim3A_194 = vector.broadcast %reduce_sum3A_190 : f32 to vector<16x1xf32>
    %select_n3A_195 = arith.select %eq3A_193, %broadcast_in_dim3A_194, %select_n3A_182 : vector<16x1xi1>, vector<16x1xf32>
    %slice3A_196 = vector.extract_strided_slice %mul3A_101 {offsets = [0, 192], sizes = [1, 64], strides = [1, 1]} : vector<1x1024xf32> to vector<1x64xf32>
    %slice3A_197 = vector.extract_strided_slice %add3A_75 {offsets = [0, 64], sizes = [1, 64], strides = [1, 1]} : vector<1x512xf32> to vector<1x64xf32>
    %mul3A_198 = arith.mulf %slice3A_196, %slice3A_197 : vector<1x64xf32>
    %reduce_sum3A_199 = vector.shape_cast %mul3A_198 : vector<1x64xf32> to vector<1x1x64xf32>
    %reduce_sum3A_200 = arith.constant dense<0.000000e+00> : vector<1xf32>
    %reduce_sum3A_201 = vector.multi_reduction <add>, %reduce_sum3A_199, %reduce_sum3A_200 [1, 2] : vector<1x1x64xf32> to vector<1xf32>
    %reduce_sum3A_202 = vector.shape_cast %reduce_sum3A_201 : vector<1xf32> to vector<1x1x1xf32>
    %reduce_sum3A_203 = vector.extract %reduce_sum3A_202[0, 0, 0] : f32 from vector<1x1x1xf32>
    %eq3A_204 = arith.constant 3 : i32
    %eq3A_205 = vector.broadcast %eq3A_204 : i32 to vector<16x1xi32>
    %eq3A_206 = arith.cmpi eq, %iota3A_154, %eq3A_205 : vector<16x1xi32>
    %broadcast_in_dim3A_207 = vector.broadcast %reduce_sum3A_203 : f32 to vector<16x1xf32>
    %select_n3A_208 = arith.select %eq3A_206, %broadcast_in_dim3A_207, %select_n3A_195 : vector<16x1xi1>, vector<16x1xf32>
    %slice3A_209 = vector.extract_strided_slice %mul3A_101 {offsets = [0, 256], sizes = [1, 64], strides = [1, 1]} : vector<1x1024xf32> to vector<1x64xf32>
    %slice3A_210 = vector.extract_strided_slice %add3A_75 {offsets = [0, 128], sizes = [1, 64], strides = [1, 1]} : vector<1x512xf32> to vector<1x64xf32>
    %mul3A_211 = arith.mulf %slice3A_209, %slice3A_210 : vector<1x64xf32>
    %reduce_sum3A_212 = vector.shape_cast %mul3A_211 : vector<1x64xf32> to vector<1x1x64xf32>
    %reduce_sum3A_213 = arith.constant dense<0.000000e+00> : vector<1xf32>
    %reduce_sum3A_214 = vector.multi_reduction <add>, %reduce_sum3A_212, %reduce_sum3A_213 [1, 2] : vector<1x1x64xf32> to vector<1xf32>
    %reduce_sum3A_215 = vector.shape_cast %reduce_sum3A_214 : vector<1xf32> to vector<1x1x1xf32>
    %reduce_sum3A_216 = vector.extract %reduce_sum3A_215[0, 0, 0] : f32 from vector<1x1x1xf32>
    %eq3A_217 = arith.constant 4 : i32
    %eq3A_218 = vector.broadcast %eq3A_217 : i32 to vector<16x1xi32>
    %eq3A_219 = arith.cmpi eq, %iota3A_154, %eq3A_218 : vector<16x1xi32>
    %broadcast_in_dim3A_220 = vector.broadcast %reduce_sum3A_216 : f32 to vector<16x1xf32>
    %select_n3A_221 = arith.select %eq3A_219, %broadcast_in_dim3A_220, %select_n3A_208 : vector<16x1xi1>, vector<16x1xf32>
    %slice3A_222 = vector.extract_strided_slice %mul3A_101 {offsets = [0, 320], sizes = [1, 64], strides = [1, 1]} : vector<1x1024xf32> to vector<1x64xf32>
    %slice3A_223 = vector.extract_strided_slice %add3A_75 {offsets = [0, 128], sizes = [1, 64], strides = [1, 1]} : vector<1x512xf32> to vector<1x64xf32>
    %mul3A_224 = arith.mulf %slice3A_222, %slice3A_223 : vector<1x64xf32>
    %reduce_sum3A_225 = vector.shape_cast %mul3A_224 : vector<1x64xf32> to vector<1x1x64xf32>
    %reduce_sum3A_226 = arith.constant dense<0.000000e+00> : vector<1xf32>
    %reduce_sum3A_227 = vector.multi_reduction <add>, %reduce_sum3A_225, %reduce_sum3A_226 [1, 2] : vector<1x1x64xf32> to vector<1xf32>
    %reduce_sum3A_228 = vector.shape_cast %reduce_sum3A_227 : vector<1xf32> to vector<1x1x1xf32>
    %reduce_sum3A_229 = vector.extract %reduce_sum3A_228[0, 0, 0] : f32 from vector<1x1x1xf32>
    %eq3A_230 = arith.constant 5 : i32
    %eq3A_231 = vector.broadcast %eq3A_230 : i32 to vector<16x1xi32>
    %eq3A_232 = arith.cmpi eq, %iota3A_154, %eq3A_231 : vector<16x1xi32>
    %broadcast_in_dim3A_233 = vector.broadcast %reduce_sum3A_229 : f32 to vector<16x1xf32>
    %select_n3A_234 = arith.select %eq3A_232, %broadcast_in_dim3A_233, %select_n3A_221 : vector<16x1xi1>, vector<16x1xf32>
    %slice3A_235 = vector.extract_strided_slice %mul3A_101 {offsets = [0, 384], sizes = [1, 64], strides = [1, 1]} : vector<1x1024xf32> to vector<1x64xf32>
    %slice3A_236 = vector.extract_strided_slice %add3A_75 {offsets = [0, 192], sizes = [1, 64], strides = [1, 1]} : vector<1x512xf32> to vector<1x64xf32>
    %mul3A_237 = arith.mulf %slice3A_235, %slice3A_236 : vector<1x64xf32>
    %reduce_sum3A_238 = vector.shape_cast %mul3A_237 : vector<1x64xf32> to vector<1x1x64xf32>
    %reduce_sum3A_239 = arith.constant dense<0.000000e+00> : vector<1xf32>
    %reduce_sum3A_240 = vector.multi_reduction <add>, %reduce_sum3A_238, %reduce_sum3A_239 [1, 2] : vector<1x1x64xf32> to vector<1xf32>
    %reduce_sum3A_241 = vector.shape_cast %reduce_sum3A_240 : vector<1xf32> to vector<1x1x1xf32>
    %reduce_sum3A_242 = vector.extract %reduce_sum3A_241[0, 0, 0] : f32 from vector<1x1x1xf32>
    %eq3A_243 = arith.constant 6 : i32
    %eq3A_244 = vector.broadcast %eq3A_243 : i32 to vector<16x1xi32>
    %eq3A_245 = arith.cmpi eq, %iota3A_154, %eq3A_244 : vector<16x1xi32>
    %broadcast_in_dim3A_246 = vector.broadcast %reduce_sum3A_242 : f32 to vector<16x1xf32>
    %select_n3A_247 = arith.select %eq3A_245, %broadcast_in_dim3A_246, %select_n3A_234 : vector<16x1xi1>, vector<16x1xf32>
    %slice3A_248 = vector.extract_strided_slice %mul3A_101 {offsets = [0, 448], sizes = [1, 64], strides = [1, 1]} : vector<1x1024xf32> to vector<1x64xf32>
    %slice3A_249 = vector.extract_strided_slice %add3A_75 {offsets = [0, 192], sizes = [1, 64], strides = [1, 1]} : vector<1x512xf32> to vector<1x64xf32>
    %mul3A_250 = arith.mulf %slice3A_248, %slice3A_249 : vector<1x64xf32>
    %reduce_sum3A_251 = vector.shape_cast %mul3A_250 : vector<1x64xf32> to vector<1x1x64xf32>
    %reduce_sum3A_252 = arith.constant dense<0.000000e+00> : vector<1xf32>
    %reduce_sum3A_253 = vector.multi_reduction <add>, %reduce_sum3A_251, %reduce_sum3A_252 [1, 2] : vector<1x1x64xf32> to vector<1xf32>
    %reduce_sum3A_254 = vector.shape_cast %reduce_sum3A_253 : vector<1xf32> to vector<1x1x1xf32>
    %reduce_sum3A_255 = vector.extract %reduce_sum3A_254[0, 0, 0] : f32 from vector<1x1x1xf32>
    %eq3A_256 = arith.constant 7 : i32
    %eq3A_257 = vector.broadcast %eq3A_256 : i32 to vector<16x1xi32>
    %eq3A_258 = arith.cmpi eq, %iota3A_154, %eq3A_257 : vector<16x1xi32>
    %broadcast_in_dim3A_259 = vector.broadcast %reduce_sum3A_255 : f32 to vector<16x1xf32>
    %select_n3A_260 = arith.select %eq3A_258, %broadcast_in_dim3A_259, %select_n3A_247 : vector<16x1xi1>, vector<16x1xf32>
    %slice3A_261 = vector.extract_strided_slice %mul3A_101 {offsets = [0, 512], sizes = [1, 64], strides = [1, 1]} : vector<1x1024xf32> to vector<1x64xf32>
    %slice3A_262 = vector.extract_strided_slice %add3A_75 {offsets = [0, 256], sizes = [1, 64], strides = [1, 1]} : vector<1x512xf32> to vector<1x64xf32>
    %mul3A_263 = arith.mulf %slice3A_261, %slice3A_262 : vector<1x64xf32>
    %reduce_sum3A_264 = vector.shape_cast %mul3A_263 : vector<1x64xf32> to vector<1x1x64xf32>
    %reduce_sum3A_265 = arith.constant dense<0.000000e+00> : vector<1xf32>
    %reduce_sum3A_266 = vector.multi_reduction <add>, %reduce_sum3A_264, %reduce_sum3A_265 [1, 2] : vector<1x1x64xf32> to vector<1xf32>
    %reduce_sum3A_267 = vector.shape_cast %reduce_sum3A_266 : vector<1xf32> to vector<1x1x1xf32>
    %reduce_sum3A_268 = vector.extract %reduce_sum3A_267[0, 0, 0] : f32 from vector<1x1x1xf32>
    %eq3A_269 = arith.constant 8 : i32
    %eq3A_270 = vector.broadcast %eq3A_269 : i32 to vector<16x1xi32>
    %eq3A_271 = arith.cmpi eq, %iota3A_154, %eq3A_270 : vector<16x1xi32>
    %broadcast_in_dim3A_272 = vector.broadcast %reduce_sum3A_268 : f32 to vector<16x1xf32>
    %select_n3A_273 = arith.select %eq3A_271, %broadcast_in_dim3A_272, %select_n3A_260 : vector<16x1xi1>, vector<16x1xf32>
    %slice3A_274 = vector.extract_strided_slice %mul3A_101 {offsets = [0, 576], sizes = [1, 64], strides = [1, 1]} : vector<1x1024xf32> to vector<1x64xf32>
    %slice3A_275 = vector.extract_strided_slice %add3A_75 {offsets = [0, 256], sizes = [1, 64], strides = [1, 1]} : vector<1x512xf32> to vector<1x64xf32>
    %mul3A_276 = arith.mulf %slice3A_274, %slice3A_275 : vector<1x64xf32>
    %reduce_sum3A_277 = vector.shape_cast %mul3A_276 : vector<1x64xf32> to vector<1x1x64xf32>
    %reduce_sum3A_278 = arith.constant dense<0.000000e+00> : vector<1xf32>
    %reduce_sum3A_279 = vector.multi_reduction <add>, %reduce_sum3A_277, %reduce_sum3A_278 [1, 2] : vector<1x1x64xf32> to vector<1xf32>
    %reduce_sum3A_280 = vector.shape_cast %reduce_sum3A_279 : vector<1xf32> to vector<1x1x1xf32>
    %reduce_sum3A_281 = vector.extract %reduce_sum3A_280[0, 0, 0] : f32 from vector<1x1x1xf32>
    %eq3A_282 = arith.constant 9 : i32
    %eq3A_283 = vector.broadcast %eq3A_282 : i32 to vector<16x1xi32>
    %eq3A_284 = arith.cmpi eq, %iota3A_154, %eq3A_283 : vector<16x1xi32>
    %broadcast_in_dim3A_285 = vector.broadcast %reduce_sum3A_281 : f32 to vector<16x1xf32>
    %select_n3A_286 = arith.select %eq3A_284, %broadcast_in_dim3A_285, %select_n3A_273 : vector<16x1xi1>, vector<16x1xf32>
    %slice3A_287 = vector.extract_strided_slice %mul3A_101 {offsets = [0, 640], sizes = [1, 64], strides = [1, 1]} : vector<1x1024xf32> to vector<1x64xf32>
    %slice3A_288 = vector.extract_strided_slice %add3A_75 {offsets = [0, 320], sizes = [1, 64], strides = [1, 1]} : vector<1x512xf32> to vector<1x64xf32>
    %mul3A_289 = arith.mulf %slice3A_287, %slice3A_288 : vector<1x64xf32>
    %reduce_sum3A_290 = vector.shape_cast %mul3A_289 : vector<1x64xf32> to vector<1x1x64xf32>
    %reduce_sum3A_291 = arith.constant dense<0.000000e+00> : vector<1xf32>
    %reduce_sum3A_292 = vector.multi_reduction <add>, %reduce_sum3A_290, %reduce_sum3A_291 [1, 2] : vector<1x1x64xf32> to vector<1xf32>
    %reduce_sum3A_293 = vector.shape_cast %reduce_sum3A_292 : vector<1xf32> to vector<1x1x1xf32>
    %reduce_sum3A_294 = vector.extract %reduce_sum3A_293[0, 0, 0] : f32 from vector<1x1x1xf32>
    %eq3A_295 = arith.constant 10 : i32
    %eq3A_296 = vector.broadcast %eq3A_295 : i32 to vector<16x1xi32>
    %eq3A_297 = arith.cmpi eq, %iota3A_154, %eq3A_296 : vector<16x1xi32>
    %broadcast_in_dim3A_298 = vector.broadcast %reduce_sum3A_294 : f32 to vector<16x1xf32>
    %select_n3A_299 = arith.select %eq3A_297, %broadcast_in_dim3A_298, %select_n3A_286 : vector<16x1xi1>, vector<16x1xf32>
    %slice3A_300 = vector.extract_strided_slice %mul3A_101 {offsets = [0, 704], sizes = [1, 64], strides = [1, 1]} : vector<1x1024xf32> to vector<1x64xf32>
    %slice3A_301 = vector.extract_strided_slice %add3A_75 {offsets = [0, 320], sizes = [1, 64], strides = [1, 1]} : vector<1x512xf32> to vector<1x64xf32>
    %mul3A_302 = arith.mulf %slice3A_300, %slice3A_301 : vector<1x64xf32>
    %reduce_sum3A_303 = vector.shape_cast %mul3A_302 : vector<1x64xf32> to vector<1x1x64xf32>
    %reduce_sum3A_304 = arith.constant dense<0.000000e+00> : vector<1xf32>
    %reduce_sum3A_305 = vector.multi_reduction <add>, %reduce_sum3A_303, %reduce_sum3A_304 [1, 2] : vector<1x1x64xf32> to vector<1xf32>
    %reduce_sum3A_306 = vector.shape_cast %reduce_sum3A_305 : vector<1xf32> to vector<1x1x1xf32>
    %reduce_sum3A_307 = vector.extract %reduce_sum3A_306[0, 0, 0] : f32 from vector<1x1x1xf32>
    %eq3A_308 = arith.constant 11 : i32
    %eq3A_309 = vector.broadcast %eq3A_308 : i32 to vector<16x1xi32>
    %eq3A_310 = arith.cmpi eq, %iota3A_154, %eq3A_309 : vector<16x1xi32>
    %broadcast_in_dim3A_311 = vector.broadcast %reduce_sum3A_307 : f32 to vector<16x1xf32>
    %select_n3A_312 = arith.select %eq3A_310, %broadcast_in_dim3A_311, %select_n3A_299 : vector<16x1xi1>, vector<16x1xf32>
    %slice3A_313 = vector.extract_strided_slice %mul3A_101 {offsets = [0, 768], sizes = [1, 64], strides = [1, 1]} : vector<1x1024xf32> to vector<1x64xf32>
    %slice3A_314 = vector.extract_strided_slice %add3A_75 {offsets = [0, 384], sizes = [1, 64], strides = [1, 1]} : vector<1x512xf32> to vector<1x64xf32>
    %mul3A_315 = arith.mulf %slice3A_313, %slice3A_314 : vector<1x64xf32>
    %reduce_sum3A_316 = vector.shape_cast %mul3A_315 : vector<1x64xf32> to vector<1x1x64xf32>
    %reduce_sum3A_317 = arith.constant dense<0.000000e+00> : vector<1xf32>
    %reduce_sum3A_318 = vector.multi_reduction <add>, %reduce_sum3A_316, %reduce_sum3A_317 [1, 2] : vector<1x1x64xf32> to vector<1xf32>
    %reduce_sum3A_319 = vector.shape_cast %reduce_sum3A_318 : vector<1xf32> to vector<1x1x1xf32>
    %reduce_sum3A_320 = vector.extract %reduce_sum3A_319[0, 0, 0] : f32 from vector<1x1x1xf32>
    %eq3A_321 = arith.constant 12 : i32
    %eq3A_322 = vector.broadcast %eq3A_321 : i32 to vector<16x1xi32>
    %eq3A_323 = arith.cmpi eq, %iota3A_154, %eq3A_322 : vector<16x1xi32>
    %broadcast_in_dim3A_324 = vector.broadcast %reduce_sum3A_320 : f32 to vector<16x1xf32>
    %select_n3A_325 = arith.select %eq3A_323, %broadcast_in_dim3A_324, %select_n3A_312 : vector<16x1xi1>, vector<16x1xf32>
    %slice3A_326 = vector.extract_strided_slice %mul3A_101 {offsets = [0, 832], sizes = [1, 64], strides = [1, 1]} : vector<1x1024xf32> to vector<1x64xf32>
    %slice3A_327 = vector.extract_strided_slice %add3A_75 {offsets = [0, 384], sizes = [1, 64], strides = [1, 1]} : vector<1x512xf32> to vector<1x64xf32>
    %mul3A_328 = arith.mulf %slice3A_326, %slice3A_327 : vector<1x64xf32>
    %reduce_sum3A_329 = vector.shape_cast %mul3A_328 : vector<1x64xf32> to vector<1x1x64xf32>
    %reduce_sum3A_330 = arith.constant dense<0.000000e+00> : vector<1xf32>
    %reduce_sum3A_331 = vector.multi_reduction <add>, %reduce_sum3A_329, %reduce_sum3A_330 [1, 2] : vector<1x1x64xf32> to vector<1xf32>
    %reduce_sum3A_332 = vector.shape_cast %reduce_sum3A_331 : vector<1xf32> to vector<1x1x1xf32>
    %reduce_sum3A_333 = vector.extract %reduce_sum3A_332[0, 0, 0] : f32 from vector<1x1x1xf32>
    %eq3A_334 = arith.constant 13 : i32
    %eq3A_335 = vector.broadcast %eq3A_334 : i32 to vector<16x1xi32>
    %eq3A_336 = arith.cmpi eq, %iota3A_154, %eq3A_335 : vector<16x1xi32>
    %broadcast_in_dim3A_337 = vector.broadcast %reduce_sum3A_333 : f32 to vector<16x1xf32>
    %select_n3A_338 = arith.select %eq3A_336, %broadcast_in_dim3A_337, %select_n3A_325 : vector<16x1xi1>, vector<16x1xf32>
    %slice3A_339 = vector.extract_strided_slice %mul3A_101 {offsets = [0, 896], sizes = [1, 64], strides = [1, 1]} : vector<1x1024xf32> to vector<1x64xf32>
    %slice3A_340 = vector.extract_strided_slice %add3A_75 {offsets = [0, 448], sizes = [1, 64], strides = [1, 1]} : vector<1x512xf32> to vector<1x64xf32>
    %mul3A_341 = arith.mulf %slice3A_339, %slice3A_340 : vector<1x64xf32>
    %reduce_sum3A_342 = vector.shape_cast %mul3A_341 : vector<1x64xf32> to vector<1x1x64xf32>
    %reduce_sum3A_343 = arith.constant dense<0.000000e+00> : vector<1xf32>
    %reduce_sum3A_344 = vector.multi_reduction <add>, %reduce_sum3A_342, %reduce_sum3A_343 [1, 2] : vector<1x1x64xf32> to vector<1xf32>
    %reduce_sum3A_345 = vector.shape_cast %reduce_sum3A_344 : vector<1xf32> to vector<1x1x1xf32>
    %reduce_sum3A_346 = vector.extract %reduce_sum3A_345[0, 0, 0] : f32 from vector<1x1x1xf32>
    %eq3A_347 = arith.constant 14 : i32
    %eq3A_348 = vector.broadcast %eq3A_347 : i32 to vector<16x1xi32>
    %eq3A_349 = arith.cmpi eq, %iota3A_154, %eq3A_348 : vector<16x1xi32>
    %broadcast_in_dim3A_350 = vector.broadcast %reduce_sum3A_346 : f32 to vector<16x1xf32>
    %select_n3A_351 = arith.select %eq3A_349, %broadcast_in_dim3A_350, %select_n3A_338 : vector<16x1xi1>, vector<16x1xf32>
    %slice3A_352 = vector.extract_strided_slice %mul3A_101 {offsets = [0, 960], sizes = [1, 64], strides = [1, 1]} : vector<1x1024xf32> to vector<1x64xf32>
    %slice3A_353 = vector.extract_strided_slice %add3A_75 {offsets = [0, 448], sizes = [1, 64], strides = [1, 1]} : vector<1x512xf32> to vector<1x64xf32>
    %mul3A_354 = arith.mulf %slice3A_352, %slice3A_353 : vector<1x64xf32>
    %reduce_sum3A_355 = vector.shape_cast %mul3A_354 : vector<1x64xf32> to vector<1x1x64xf32>
    %reduce_sum3A_356 = arith.constant dense<0.000000e+00> : vector<1xf32>
    %reduce_sum3A_357 = vector.multi_reduction <add>, %reduce_sum3A_355, %reduce_sum3A_356 [1, 2] : vector<1x1x64xf32> to vector<1xf32>
    %reduce_sum3A_358 = vector.shape_cast %reduce_sum3A_357 : vector<1xf32> to vector<1x1x1xf32>
    %reduce_sum3A_359 = vector.extract %reduce_sum3A_358[0, 0, 0] : f32 from vector<1x1x1xf32>
    %eq3A_360 = arith.constant 15 : i32
    %eq3A_361 = vector.broadcast %eq3A_360 : i32 to vector<16x1xi32>
    %eq3A_362 = arith.cmpi eq, %iota3A_154, %eq3A_361 : vector<16x1xi32>
    %broadcast_in_dim3A_363 = vector.broadcast %reduce_sum3A_359 : f32 to vector<16x1xf32>
    %select_n3A_364 = arith.select %eq3A_362, %broadcast_in_dim3A_363, %select_n3A_351 : vector<16x1xi1>, vector<16x1xf32>
    %broadcast_in_dim3A_365 = vector.shape_cast %eq3A_95 : vector<1x2048xi1> to vector<1x2048xi1>
    %broadcast_in_dim3A_366 = vector.broadcast %broadcast_in_dim3A_365 : vector<1x2048xi1> to vector<16x2048xi1>
    %broadcast_in_dim3A_367 = vector.shape_cast %select_n3A_364 : vector<16x1xf32> to vector<16x1xf32>
    %broadcast_in_dim3A_368 = vector.broadcast %broadcast_in_dim3A_367 : vector<16x1xf32> to vector<16x2048xf32>
    %select_n3A_369 = arith.select %broadcast_in_dim3A_366, %broadcast_in_dim3A_368, %concatenate3A_153 : vector<16x2048xi1>, vector<16x2048xf32>
    %add3A_370 = vector.broadcast %get3A_98 : vector<1x2048xf32> to vector<16x2048xf32>
    %add3A_371 = arith.addf %select_n3A_369, %add3A_370 : vector<16x2048xf32>
    %reduce_max3A = arith.constant dense<0xFF800000> : vector<16xf32>
    %reduce_max3A_372 = vector.multi_reduction <maximumf>, %add3A_371, %reduce_max3A [1] : vector<16x2048xf32> to vector<16xf32>
    %broadcast_in_dim3A_373 = vector.shape_cast %reduce_max3A_372 : vector<16xf32> to vector<16x1xf32>
    %sub3A = vector.broadcast %broadcast_in_dim3A_373 : vector<16x1xf32> to vector<16x2048xf32>
    %sub3A_374 = arith.subf %add3A_371, %sub3A : vector<16x2048xf32>
    %exp3A = math.exp %sub3A_374 : vector<16x2048xf32>
    %reduce_sum3A_375 = arith.constant dense<0.000000e+00> : vector<16xf32>
    %reduce_sum3A_376 = vector.multi_reduction <add>, %exp3A, %reduce_sum3A_375 [1] : vector<16x2048xf32> to vector<16xf32>
    %broadcast_in_dim3A_377 = vector.shape_cast %reduce_sum3A_376 : vector<16xf32> to vector<16x1xf32>
    %jit3A_378 = arith.constant 0.000000e+00 : f32
    %broadcast_in_dim3A_379 = vector.shape_cast %eq3A_95 : vector<1x2048xi1> to vector<1x2048xi1>
    %broadcast_in_dim3A_380 = vector.broadcast %broadcast_in_dim3A_379 : vector<1x2048xi1> to vector<16x2048xi1>
    %broadcast_in_dim3A_381 = vector.broadcast %jit3A_378 : f32 to vector<16x2048xf32>
    %select_n3A_382 = arith.select %broadcast_in_dim3A_380, %broadcast_in_dim3A_381, %exp3A : vector<16x2048xi1>, vector<16x2048xf32>
    %reduce_sum3A_383 = arith.constant dense<0.000000e+00> : vector<16xf32>
    %reduce_sum3A_384 = vector.multi_reduction <add>, %select_n3A_382, %reduce_sum3A_383 [1] : vector<16x2048xf32> to vector<16xf32>
    %broadcast_in_dim3A_385 = vector.shape_cast %reduce_sum3A_384 : vector<16xf32> to vector<16x1xf32>
    %sub3A_386 = arith.subf %broadcast_in_dim3A_377, %broadcast_in_dim3A_385 : vector<16x1xf32>
    %convert_element_type3A_387 = arith.truncf %select_n3A_382 : vector<16x2048xf32> to vector<16x2048xbf16>
    %slice3A_388 = vector.extract_strided_slice %convert_element_type3A_387 {offsets = [0, 0], sizes = [4, 2048], strides = [1, 1]} : vector<16x2048xbf16> to vector<4x2048xbf16>
    %slice3A_389 = vector.extract_strided_slice %get3A_89 {offsets = [0, 0, 0], sizes = [1, 2048, 128], strides = [1, 1, 1]} : vector<4x2048x128xbf16> to vector<1x2048x128xbf16>
    %squeeze3A_390 = vector.shape_cast %slice3A_389 : vector<1x2048x128xbf16> to vector<2048x128xbf16>
    %dot_general3A_391 = arith.constant dense<0.000000e+00> : vector<4x128xf32>
    %dot_general3A_392 = tpu.matmul %slice3A_388, %squeeze3A_390, %dot_general3A_391 {dimension_numbers = #tpu.dot_dimension_numbers<[1], [0], [0], [1], [0, 0, 1, 1], [], []>, transpose_lhs_hint = false} : vector<4x2048xbf16>, vector<2048x128xbf16>, vector<4x128xf32> -> vector<4x128xf32>
    %iota3A_393 = tpu.iota {dimensions = array<i32: 0>} : vector<4x64xi32>
    %lt3A_394 = arith.constant 2 : i32
    %lt3A_395 = vector.broadcast %lt3A_394 : i32 to vector<4x64xi32>
    %lt3A_396 = arith.cmpi slt, %iota3A_393, %lt3A_395 : vector<4x64xi32>
    %slice3A_397 = vector.extract_strided_slice %dot_general3A_392 {offsets = [0, 0], sizes = [4, 64], strides = [1, 1]} : vector<4x128xf32> to vector<4x64xf32>
    %slice3A_398 = vector.extract_strided_slice %dot_general3A_392 {offsets = [0, 64], sizes = [4, 64], strides = [1, 1]} : vector<4x128xf32> to vector<4x64xf32>
    %select_n3A_399 = arith.select %lt3A_396, %slice3A_397, %slice3A_398 : vector<4x64xi1>, vector<4x64xf32>
    %slice3A_400 = vector.extract_strided_slice %dot_general3A_29 {offsets = [0, 0], sizes = [1, 64], strides = [1, 1]} : vector<1x512xf32> to vector<1x64xf32>
    %slice3A_401 = vector.extract_strided_slice %dot_general3A_29 {offsets = [0, 0], sizes = [1, 64], strides = [1, 1]} : vector<1x512xf32> to vector<1x64xf32>
    %slice3A_402 = vector.extract_strided_slice %dot_general3A_29 {offsets = [0, 64], sizes = [1, 64], strides = [1, 1]} : vector<1x512xf32> to vector<1x64xf32>
    %slice3A_403 = vector.extract_strided_slice %dot_general3A_29 {offsets = [0, 64], sizes = [1, 64], strides = [1, 1]} : vector<1x512xf32> to vector<1x64xf32>
    %concatenate3A_404 = tpu.concatenate %slice3A_400, %slice3A_401, %slice3A_402, %slice3A_403 in 0 : vector<1x64xf32>, vector<1x64xf32>, vector<1x64xf32>, vector<1x64xf32> -> vector<4x64xf32>
    %slice3A_405 = vector.extract_strided_slice %sub3A_386 {offsets = [0, 0], sizes = [4, 1], strides = [1, 1]} : vector<16x1xf32> to vector<4x1xf32>
    %mul3A_406 = vector.broadcast %slice3A_405 : vector<4x1xf32> to vector<4x64xf32>
    %mul3A_407 = arith.mulf %mul3A_406, %concatenate3A_404 : vector<4x64xf32>
    %add3A_408 = arith.addf %select_n3A_399, %mul3A_407 : vector<4x64xf32>
    %slice3A_409 = vector.extract_strided_slice %broadcast_in_dim3A_377 {offsets = [0, 0], sizes = [4, 1], strides = [1, 1]} : vector<16x1xf32> to vector<4x1xf32>
    %div3A_410 = vector.broadcast %slice3A_409 : vector<4x1xf32> to vector<4x64xf32>
    %div3A_411 = arith.divf %add3A_408, %div3A_410 : vector<4x64xf32>
    %slice3A_412 = vector.extract_strided_slice %div3A_411 {offsets = [0, 0], sizes = [1, 64], strides = [1, 1]} : vector<4x64xf32> to vector<1x64xf32>
    %slice3A_413 = vector.extract_strided_slice %div3A_411 {offsets = [1, 0], sizes = [1, 64], strides = [1, 1]} : vector<4x64xf32> to vector<1x64xf32>
    %slice3A_414 = vector.extract_strided_slice %div3A_411 {offsets = [2, 0], sizes = [1, 64], strides = [1, 1]} : vector<4x64xf32> to vector<1x64xf32>
    %slice3A_415 = vector.extract_strided_slice %div3A_411 {offsets = [3, 0], sizes = [1, 64], strides = [1, 1]} : vector<4x64xf32> to vector<1x64xf32>
    %slice3A_416 = vector.extract_strided_slice %convert_element_type3A_387 {offsets = [4, 0], sizes = [4, 2048], strides = [1, 1]} : vector<16x2048xbf16> to vector<4x2048xbf16>
    %slice3A_417 = vector.extract_strided_slice %get3A_89 {offsets = [1, 0, 0], sizes = [1, 2048, 128], strides = [1, 1, 1]} : vector<4x2048x128xbf16> to vector<1x2048x128xbf16>
    %squeeze3A_418 = vector.shape_cast %slice3A_417 : vector<1x2048x128xbf16> to vector<2048x128xbf16>
    %dot_general3A_419 = arith.constant dense<0.000000e+00> : vector<4x128xf32>
    %dot_general3A_420 = tpu.matmul %slice3A_416, %squeeze3A_418, %dot_general3A_419 {dimension_numbers = #tpu.dot_dimension_numbers<[1], [0], [0], [1], [0, 0, 1, 1], [], []>, transpose_lhs_hint = false} : vector<4x2048xbf16>, vector<2048x128xbf16>, vector<4x128xf32> -> vector<4x128xf32>
    %iota3A_421 = tpu.iota {dimensions = array<i32: 0>} : vector<4x64xi32>
    %lt3A_422 = arith.constant 2 : i32
    %lt3A_423 = vector.broadcast %lt3A_422 : i32 to vector<4x64xi32>
    %lt3A_424 = arith.cmpi slt, %iota3A_421, %lt3A_423 : vector<4x64xi32>
    %slice3A_425 = vector.extract_strided_slice %dot_general3A_420 {offsets = [0, 0], sizes = [4, 64], strides = [1, 1]} : vector<4x128xf32> to vector<4x64xf32>
    %slice3A_426 = vector.extract_strided_slice %dot_general3A_420 {offsets = [0, 64], sizes = [4, 64], strides = [1, 1]} : vector<4x128xf32> to vector<4x64xf32>
    %select_n3A_427 = arith.select %lt3A_424, %slice3A_425, %slice3A_426 : vector<4x64xi1>, vector<4x64xf32>
    %slice3A_428 = vector.extract_strided_slice %dot_general3A_29 {offsets = [0, 128], sizes = [1, 64], strides = [1, 1]} : vector<1x512xf32> to vector<1x64xf32>
    %slice3A_429 = vector.extract_strided_slice %dot_general3A_29 {offsets = [0, 128], sizes = [1, 64], strides = [1, 1]} : vector<1x512xf32> to vector<1x64xf32>
    %slice3A_430 = vector.extract_strided_slice %dot_general3A_29 {offsets = [0, 192], sizes = [1, 64], strides = [1, 1]} : vector<1x512xf32> to vector<1x64xf32>
    %slice3A_431 = vector.extract_strided_slice %dot_general3A_29 {offsets = [0, 192], sizes = [1, 64], strides = [1, 1]} : vector<1x512xf32> to vector<1x64xf32>
    %concatenate3A_432 = tpu.concatenate %slice3A_428, %slice3A_429, %slice3A_430, %slice3A_431 in 0 : vector<1x64xf32>, vector<1x64xf32>, vector<1x64xf32>, vector<1x64xf32> -> vector<4x64xf32>
    %slice3A_433 = vector.extract_strided_slice %sub3A_386 {offsets = [4, 0], sizes = [4, 1], strides = [1, 1]} : vector<16x1xf32> to vector<4x1xf32>
    %mul3A_434 = vector.broadcast %slice3A_433 : vector<4x1xf32> to vector<4x64xf32>
    %mul3A_435 = arith.mulf %mul3A_434, %concatenate3A_432 : vector<4x64xf32>
    %add3A_436 = arith.addf %select_n3A_427, %mul3A_435 : vector<4x64xf32>
    %slice3A_437 = vector.extract_strided_slice %broadcast_in_dim3A_377 {offsets = [4, 0], sizes = [4, 1], strides = [1, 1]} : vector<16x1xf32> to vector<4x1xf32>
    %div3A_438 = vector.broadcast %slice3A_437 : vector<4x1xf32> to vector<4x64xf32>
    %div3A_439 = arith.divf %add3A_436, %div3A_438 : vector<4x64xf32>
    %slice3A_440 = vector.extract_strided_slice %div3A_439 {offsets = [0, 0], sizes = [1, 64], strides = [1, 1]} : vector<4x64xf32> to vector<1x64xf32>
    %slice3A_441 = vector.extract_strided_slice %div3A_439 {offsets = [1, 0], sizes = [1, 64], strides = [1, 1]} : vector<4x64xf32> to vector<1x64xf32>
    %slice3A_442 = vector.extract_strided_slice %div3A_439 {offsets = [2, 0], sizes = [1, 64], strides = [1, 1]} : vector<4x64xf32> to vector<1x64xf32>
    %slice3A_443 = vector.extract_strided_slice %div3A_439 {offsets = [3, 0], sizes = [1, 64], strides = [1, 1]} : vector<4x64xf32> to vector<1x64xf32>
    %slice3A_444 = vector.extract_strided_slice %convert_element_type3A_387 {offsets = [8, 0], sizes = [4, 2048], strides = [1, 1]} : vector<16x2048xbf16> to vector<4x2048xbf16>
    %slice3A_445 = vector.extract_strided_slice %get3A_89 {offsets = [2, 0, 0], sizes = [1, 2048, 128], strides = [1, 1, 1]} : vector<4x2048x128xbf16> to vector<1x2048x128xbf16>
    %squeeze3A_446 = vector.shape_cast %slice3A_445 : vector<1x2048x128xbf16> to vector<2048x128xbf16>
    %dot_general3A_447 = arith.constant dense<0.000000e+00> : vector<4x128xf32>
    %dot_general3A_448 = tpu.matmul %slice3A_444, %squeeze3A_446, %dot_general3A_447 {dimension_numbers = #tpu.dot_dimension_numbers<[1], [0], [0], [1], [0, 0, 1, 1], [], []>, transpose_lhs_hint = false} : vector<4x2048xbf16>, vector<2048x128xbf16>, vector<4x128xf32> -> vector<4x128xf32>
    %iota3A_449 = tpu.iota {dimensions = array<i32: 0>} : vector<4x64xi32>
    %lt3A_450 = arith.constant 2 : i32
    %lt3A_451 = vector.broadcast %lt3A_450 : i32 to vector<4x64xi32>
    %lt3A_452 = arith.cmpi slt, %iota3A_449, %lt3A_451 : vector<4x64xi32>
    %slice3A_453 = vector.extract_strided_slice %dot_general3A_448 {offsets = [0, 0], sizes = [4, 64], strides = [1, 1]} : vector<4x128xf32> to vector<4x64xf32>
    %slice3A_454 = vector.extract_strided_slice %dot_general3A_448 {offsets = [0, 64], sizes = [4, 64], strides = [1, 1]} : vector<4x128xf32> to vector<4x64xf32>
    %select_n3A_455 = arith.select %lt3A_452, %slice3A_453, %slice3A_454 : vector<4x64xi1>, vector<4x64xf32>
    %slice3A_456 = vector.extract_strided_slice %dot_general3A_29 {offsets = [0, 256], sizes = [1, 64], strides = [1, 1]} : vector<1x512xf32> to vector<1x64xf32>
    %slice3A_457 = vector.extract_strided_slice %dot_general3A_29 {offsets = [0, 256], sizes = [1, 64], strides = [1, 1]} : vector<1x512xf32> to vector<1x64xf32>
    %slice3A_458 = vector.extract_strided_slice %dot_general3A_29 {offsets = [0, 320], sizes = [1, 64], strides = [1, 1]} : vector<1x512xf32> to vector<1x64xf32>
    %slice3A_459 = vector.extract_strided_slice %dot_general3A_29 {offsets = [0, 320], sizes = [1, 64], strides = [1, 1]} : vector<1x512xf32> to vector<1x64xf32>
    %concatenate3A_460 = tpu.concatenate %slice3A_456, %slice3A_457, %slice3A_458, %slice3A_459 in 0 : vector<1x64xf32>, vector<1x64xf32>, vector<1x64xf32>, vector<1x64xf32> -> vector<4x64xf32>
    %slice3A_461 = vector.extract_strided_slice %sub3A_386 {offsets = [8, 0], sizes = [4, 1], strides = [1, 1]} : vector<16x1xf32> to vector<4x1xf32>
    %mul3A_462 = vector.broadcast %slice3A_461 : vector<4x1xf32> to vector<4x64xf32>
    %mul3A_463 = arith.mulf %mul3A_462, %concatenate3A_460 : vector<4x64xf32>
    %add3A_464 = arith.addf %select_n3A_455, %mul3A_463 : vector<4x64xf32>
    %slice3A_465 = vector.extract_strided_slice %broadcast_in_dim3A_377 {offsets = [8, 0], sizes = [4, 1], strides = [1, 1]} : vector<16x1xf32> to vector<4x1xf32>
    %div3A_466 = vector.broadcast %slice3A_465 : vector<4x1xf32> to vector<4x64xf32>
    %div3A_467 = arith.divf %add3A_464, %div3A_466 : vector<4x64xf32>
    %slice3A_468 = vector.extract_strided_slice %div3A_467 {offsets = [0, 0], sizes = [1, 64], strides = [1, 1]} : vector<4x64xf32> to vector<1x64xf32>
    %slice3A_469 = vector.extract_strided_slice %div3A_467 {offsets = [1, 0], sizes = [1, 64], strides = [1, 1]} : vector<4x64xf32> to vector<1x64xf32>
    %slice3A_470 = vector.extract_strided_slice %div3A_467 {offsets = [2, 0], sizes = [1, 64], strides = [1, 1]} : vector<4x64xf32> to vector<1x64xf32>
    %slice3A_471 = vector.extract_strided_slice %div3A_467 {offsets = [3, 0], sizes = [1, 64], strides = [1, 1]} : vector<4x64xf32> to vector<1x64xf32>
    %slice3A_472 = vector.extract_strided_slice %convert_element_type3A_387 {offsets = [12, 0], sizes = [4, 2048], strides = [1, 1]} : vector<16x2048xbf16> to vector<4x2048xbf16>
    %slice3A_473 = vector.extract_strided_slice %get3A_89 {offsets = [3, 0, 0], sizes = [1, 2048, 128], strides = [1, 1, 1]} : vector<4x2048x128xbf16> to vector<1x2048x128xbf16>
    %squeeze3A_474 = vector.shape_cast %slice3A_473 : vector<1x2048x128xbf16> to vector<2048x128xbf16>
    %dot_general3A_475 = arith.constant dense<0.000000e+00> : vector<4x128xf32>
    %dot_general3A_476 = tpu.matmul %slice3A_472, %squeeze3A_474, %dot_general3A_475 {dimension_numbers = #tpu.dot_dimension_numbers<[1], [0], [0], [1], [0, 0, 1, 1], [], []>, transpose_lhs_hint = false} : vector<4x2048xbf16>, vector<2048x128xbf16>, vector<4x128xf32> -> vector<4x128xf32>
    %iota3A_477 = tpu.iota {dimensions = array<i32: 0>} : vector<4x64xi32>
    %lt3A_478 = arith.constant 2 : i32
    %lt3A_479 = vector.broadcast %lt3A_478 : i32 to vector<4x64xi32>
    %lt3A_480 = arith.cmpi slt, %iota3A_477, %lt3A_479 : vector<4x64xi32>
    %slice3A_481 = vector.extract_strided_slice %dot_general3A_476 {offsets = [0, 0], sizes = [4, 64], strides = [1, 1]} : vector<4x128xf32> to vector<4x64xf32>
    %slice3A_482 = vector.extract_strided_slice %dot_general3A_476 {offsets = [0, 64], sizes = [4, 64], strides = [1, 1]} : vector<4x128xf32> to vector<4x64xf32>
    %select_n3A_483 = arith.select %lt3A_480, %slice3A_481, %slice3A_482 : vector<4x64xi1>, vector<4x64xf32>
    %slice3A_484 = vector.extract_strided_slice %dot_general3A_29 {offsets = [0, 384], sizes = [1, 64], strides = [1, 1]} : vector<1x512xf32> to vector<1x64xf32>
    %slice3A_485 = vector.extract_strided_slice %dot_general3A_29 {offsets = [0, 384], sizes = [1, 64], strides = [1, 1]} : vector<1x512xf32> to vector<1x64xf32>
    %slice3A_486 = vector.extract_strided_slice %dot_general3A_29 {offsets = [0, 448], sizes = [1, 64], strides = [1, 1]} : vector<1x512xf32> to vector<1x64xf32>
    %slice3A_487 = vector.extract_strided_slice %dot_general3A_29 {offsets = [0, 448], sizes = [1, 64], strides = [1, 1]} : vector<1x512xf32> to vector<1x64xf32>
    %concatenate3A_488 = tpu.concatenate %slice3A_484, %slice3A_485, %slice3A_486, %slice3A_487 in 0 : vector<1x64xf32>, vector<1x64xf32>, vector<1x64xf32>, vector<1x64xf32> -> vector<4x64xf32>
    %slice3A_489 = vector.extract_strided_slice %sub3A_386 {offsets = [12, 0], sizes = [4, 1], strides = [1, 1]} : vector<16x1xf32> to vector<4x1xf32>
    %mul3A_490 = vector.broadcast %slice3A_489 : vector<4x1xf32> to vector<4x64xf32>
    %mul3A_491 = arith.mulf %mul3A_490, %concatenate3A_488 : vector<4x64xf32>
    %add3A_492 = arith.addf %select_n3A_483, %mul3A_491 : vector<4x64xf32>
    %slice3A_493 = vector.extract_strided_slice %broadcast_in_dim3A_377 {offsets = [12, 0], sizes = [4, 1], strides = [1, 1]} : vector<16x1xf32> to vector<4x1xf32>
    %div3A_494 = vector.broadcast %slice3A_493 : vector<4x1xf32> to vector<4x64xf32>
    %div3A_495 = arith.divf %add3A_492, %div3A_494 : vector<4x64xf32>
    %slice3A_496 = vector.extract_strided_slice %div3A_495 {offsets = [0, 0], sizes = [1, 64], strides = [1, 1]} : vector<4x64xf32> to vector<1x64xf32>
    %slice3A_497 = vector.extract_strided_slice %div3A_495 {offsets = [1, 0], sizes = [1, 64], strides = [1, 1]} : vector<4x64xf32> to vector<1x64xf32>
    %slice3A_498 = vector.extract_strided_slice %div3A_495 {offsets = [2, 0], sizes = [1, 64], strides = [1, 1]} : vector<4x64xf32> to vector<1x64xf32>
    %slice3A_499 = vector.extract_strided_slice %div3A_495 {offsets = [3, 0], sizes = [1, 64], strides = [1, 1]} : vector<4x64xf32> to vector<1x64xf32>
    %concatenate3A_500 = tpu.concatenate %slice3A_412, %slice3A_413, %slice3A_414, %slice3A_415, %slice3A_440, %slice3A_441, %slice3A_442, %slice3A_443, %slice3A_468, %slice3A_469, %slice3A_470, %slice3A_471, %slice3A_496, %slice3A_497, %slice3A_498, %slice3A_499 in 1 : vector<1x64xf32>, vector<1x64xf32>, vector<1x64xf32>, vector<1x64xf32>, vector<1x64xf32>, vector<1x64xf32>, vector<1x64xf32>, vector<1x64xf32>, vector<1x64xf32>, vector<1x64xf32>, vector<1x64xf32>, vector<1x64xf32>, vector<1x64xf32>, vector<1x64xf32>, vector<1x64xf32>, vector<1x64xf32> -> vector<1x1024xf32>
    %get3A_501 = arith.constant 0 : index
    %get3A_502 = arith.constant 0 : index
    %get3A_503 = vector.load %arg7[%get3A_501, %get3A_502] : memref<1024x1024xf32, #tpu.memory_space<vmem>>, vector<1024x1024xf32>
    %dot_general3A_504 = arith.constant dense<0.000000e+00> : vector<1x1024xf32>
    %dot_general3A_505 = tpu.matmul %concatenate3A_500, %get3A_503, %dot_general3A_504 {dimension_numbers = #tpu.dot_dimension_numbers<[1], [1], [0], [0], [0, 0, 1, 0], [], []>, transpose_lhs_hint = false} : vector<1x1024xf32>, vector<1024x1024xf32>, vector<1x1024xf32> -> vector<1x1024xf32>
    %add3A_506 = arith.addf %get3A_3, %dot_general3A_505 : vector<1x1024xf32>
    %swap3A = arith.constant 0 : index
    %swap3A_507 = arith.constant 0 : index
    %swap3A_508 = arith.constant 0 : index
    %swap3A_509 = vector.load %arg14[%swap3A, %swap3A_507, %swap3A_508] : memref<1x1x1024xf32, #tpu.memory_space<vmem>>, vector<1x1x1024xf32>
    %swap3A_510 = vector.shape_cast %swap3A_509 : vector<1x1x1024xf32> to vector<1x1024xf32>
    %swap3A_511 = vector.shape_cast %add3A_506 : vector<1x1024xf32> to vector<1x1x1024xf32>
    tpu.vector_store %arg14[%swap3A, %swap3A_507, %swap3A_508], %swap3A_511 {strides = array<i32>} : memref<1x1x1024xf32, #tpu.memory_space<vmem>>, vector<1x1x1024xf32>,
    %mul3A_512 = arith.mulf %add3A_506, %add3A_506 : vector<1x1024xf32>
    %reduce_sum3A_513 = vector.shape_cast %mul3A_512 : vector<1x1024xf32> to vector<1x1x1024xf32>
    %reduce_sum3A_514 = arith.constant dense<0.000000e+00> : vector<1xf32>
    %reduce_sum3A_515 = vector.multi_reduction <add>, %reduce_sum3A_513, %reduce_sum3A_514 [1, 2] : vector<1x1x1024xf32> to vector<1xf32>
    %reduce_sum3A_516 = vector.shape_cast %reduce_sum3A_515 : vector<1xf32> to vector<1x1x1xf32>
    %reduce_sum3A_517 = vector.extract %reduce_sum3A_516[0, 0, 0] : f32 from vector<1x1x1xf32>
    %div3A_518 = arith.constant 1.024000e+03 : f32
    %div3A_519 = arith.divf %reduce_sum3A_517, %div3A_518 : f32
    %add3A_520 = arith.constant 9.99999997E-7 : f32
    %add3A_521 = arith.addf %div3A_519, %add3A_520 : f32
    %rsqrt3A_522 = math.rsqrt %add3A_521 : f32
    %mul3A_523 = vector.broadcast %rsqrt3A_522 : f32 to vector<1x1024xf32>
    %mul3A_524 = arith.mulf %add3A_506, %mul3A_523 : vector<1x1024xf32>
    %get3A_525 = arith.constant 0 : index
    %get3A_526 = arith.constant 0 : index
    %get3A_527 = vector.load %arg10[%get3A_525, %get3A_526] : memref<1x1024xf32, #tpu.memory_space<vmem>>, vector<1x1024xf32>
    %mul3A_528 = arith.mulf %mul3A_524, %get3A_527 : vector<1x1024xf32>
    %swap3A_529 = arith.constant 0 : index
    %swap3A_530 = arith.constant 0 : index
    %swap3A_531 = arith.constant 0 : index
    %swap3A_532 = vector.load %arg15[%swap3A_529, %swap3A_530, %swap3A_531] : memref<1x1x1024xf32, #tpu.memory_space<vmem>>, vector<1x1x1024xf32>
    %swap3A_533 = vector.shape_cast %swap3A_532 : vector<1x1x1024xf32> to vector<1x1024xf32>
    %swap3A_534 = vector.shape_cast %mul3A_528 : vector<1x1024xf32> to vector<1x1x1024xf32>
    tpu.vector_store %arg15[%swap3A_529, %swap3A_530, %swap3A_531], %swap3A_534 {strides = array<i32>} : memref<1x1x1024xf32, #tpu.memory_space<vmem>>, vector<1x1x1024xf32>,
    %get3A_535 = arith.constant 0 : index
    %get3A_536 = arith.constant 0 : index
    %get3A_537 = vector.load %arg8[%get3A_535, %get3A_536] : memref<8x1024xf32, #tpu.memory_space<vmem>>, vector<8x1024xf32>
    %dot_general3A_538 = arith.constant dense<0.000000e+00> : vector<1x8xf32>
    %dot_general3A_539 = tpu.matmul %mul3A_528, %get3A_537, %dot_general3A_538 {dimension_numbers = #tpu.dot_dimension_numbers<[1], [1], [0], [0], [0, 0, 1, 0], [], []>, transpose_lhs_hint = false} : vector<1x1024xf32>, vector<8x1024xf32>, vector<1x8xf32> -> vector<1x8xf32>
    %swap3A_540 = arith.constant 0 : index
    %swap3A_541 = arith.constant 0 : index
    %swap3A_542 = arith.constant 0 : index
    %swap3A_543 = vector.load %arg16[%swap3A_540, %swap3A_541, %swap3A_542] : memref<1x1x8xf32, #tpu.memory_space<vmem>>, vector<1x1x8xf32>
    %swap3A_544 = vector.shape_cast %swap3A_543 : vector<1x1x8xf32> to vector<1x8xf32>
    %swap3A_545 = vector.shape_cast %dot_general3A_539 : vector<1x8xf32> to vector<1x1x8xf32>
    tpu.vector_store %arg16[%swap3A_540, %swap3A_541, %swap3A_542], %swap3A_545 {strides = array<i32>} : memref<1x1x8xf32, #tpu.memory_space<vmem>>, vector<1x1x8xf32>,
    return
  }
  func.func @transform_0(%arg0: i32) -> (i32, i32) {
    %c0_i32 = arith.constant 0 : i32
    %c0_i32_0 = arith.constant 0 : i32
    %c0_i32_1 = arith.constant 0 : i32
    return %c0_i32, %c0_i32_0 : i32, i32
  }
  func.func @transform_1(%arg0: i32) -> (i32, i32, i32) {
    %c0_i32 = arith.constant 0 : i32
    %c0_i32_0 = arith.constant 0 : i32
    %c0_i32_1 = arith.constant 0 : i32
    return %arg0, %c0_i32, %c0_i32_0 : i32, i32, i32
  }
  func.func @transform_2(%arg0: i32) -> (i32, i32, i32, i32, i32) {
    %c0_i32 = arith.constant 0 : i32
    %c0_i32_0 = arith.constant 0 : i32
    %c0_i32_1 = arith.constant 0 : i32
    %c0_i32_2 = arith.constant 0 : i32
    %c0_i32_3 = arith.constant 0 : i32
    return %c0_i32, %arg0, %c0_i32_0, %c0_i32_1, %c0_i32_2 : i32, i32, i32, i32, i32
  }
  func.func @transform_3(%arg0: i32) -> (i32, i32) {
    %c0_i32 = arith.constant 0 : i32
    %c0_i32_0 = arith.constant 0 : i32
    %c0_i32_1 = arith.constant 0 : i32
    return %c0_i32, %c0_i32_0 : i32, i32
  }
  func.func @transform_4(%arg0: i32) -> (i32, i32) {
    %c0_i32 = arith.constant 0 : i32
    %c0_i32_0 = arith.constant 0 : i32
    %c0_i32_1 = arith.constant 0 : i32
    return %c0_i32, %c0_i32_0 : i32, i32
  }
  func.func @transform_5(%arg0: i32) -> (i32, i32) {
    %c0_i32 = arith.constant 0 : i32
    %c0_i32_0 = arith.constant 0 : i32
    %c0_i32_1 = arith.constant 0 : i32
    return %c0_i32, %c0_i32_0 : i32, i32
  }
  func.func @transform_6(%arg0: i32) -> (i32, i32) {
    %c0_i32 = arith.constant 0 : i32
    %c0_i32_0 = arith.constant 0 : i32
    %c0_i32_1 = arith.constant 0 : i32
    return %c0_i32, %c0_i32_0 : i32, i32
  }
  func.func @transform_7(%arg0: i32) -> (i32, i32) {
    %c0_i32 = arith.constant 0 : i32
    %c0_i32_0 = arith.constant 0 : i32
    %c0_i32_1 = arith.constant 0 : i32
    return %c0_i32, %c0_i32_0 : i32, i32
  }
  func.func @transform_8(%arg0: i32) -> (i32, i32) {
    %c0_i32 = arith.constant 0 : i32
    %c0_i32_0 = arith.constant 0 : i32
    %c0_i32_1 = arith.constant 0 : i32
    return %c0_i32, %c0_i32_0 : i32, i32
  }
  func.func @transform_9(%arg0: i32) -> (i32, i32) {
    %c0_i32 = arith.constant 0 : i32
    %c0_i32_0 = arith.constant 0 : i32
    %c0_i32_1 = arith.constant 0 : i32
    return %c0_i32, %c0_i32_0 : i32, i32
  }
  func.func @transform_10(%arg0: i32) -> (i32, i32) {
    %c0_i32 = arith.constant 0 : i32
    %c0_i32_0 = arith.constant 0 : i32
    %c0_i32_1 = arith.constant 0 : i32
    return %c0_i32, %c0_i32_0 : i32, i32
  }
  func.func @transform_11(%arg0: i32) -> (i32, i32) {
    %c0_i32 = arith.constant 0 : i32
    %c0_i32_0 = arith.constant 0 : i32
    %c0_i32_1 = arith.constant 0 : i32
    return %c0_i32, %c0_i32_0 : i32, i32
  }
  func.func @transform_12(%arg0: i32) -> (i32, i32) {
    %c0_i32 = arith.constant 0 : i32
    %c0_i32_0 = arith.constant 0 : i32
    %c0_i32_1 = arith.constant 0 : i32
    return %c0_i32, %c0_i32_0 : i32, i32
  }
  func.func @transform_13(%arg0: i32) -> (i32, i32, i32) {
    %c0_i32 = arith.constant 0 : i32
    %c0_i32_0 = arith.constant 0 : i32
    %c0_i32_1 = arith.constant 0 : i32
    return %arg0, %c0_i32, %c0_i32_0 : i32, i32, i32
  }
  func.func @transform_14(%arg0: i32) -> (i32, i32, i32) {
    %c0_i32 = arith.constant 0 : i32
    %c0_i32_0 = arith.constant 0 : i32
    %c0_i32_1 = arith.constant 0 : i32
    return %arg0, %c0_i32, %c0_i32_0 : i32, i32, i32
  }
  func.func @transform_15(%arg0: i32) -> (i32, i32, i32) {
    %c0_i32 = arith.constant 0 : i32
    %c0_i32_0 = arith.constant 0 : i32
    %c0_i32_1 = arith.constant 0 : i32
    return %arg0, %c0_i32, %c0_i32_0 : i32, i32, i32
  }
}

module attributes {stable_mosaic.version = 14 : i64} {
  func.func @_moe_body(%arg0: i32, %arg1: i32, %arg2: memref<16x1024xf32, #tpu.memory_space<vmem>>, %arg3: memref<16x1024xf32, #tpu.memory_space<vmem>>, %arg4: memref<16x8xf32, #tpu.memory_space<vmem>>, %arg5: memref<1x896x1024xf32, #tpu.memory_space<vmem>>, %arg6: memref<1x896x1024xf32, #tpu.memory_space<vmem>>, %arg7: memref<1x896x1024xf32, #tpu.memory_space<vmem>>, %arg8: memref<16x1024xf32, #tpu.memory_space<vmem>>) attributes {dimension_semantics = [#tpu.dimension_semantics<arbitrary>, #tpu.dimension_semantics<arbitrary>], iteration_bounds = array<i64: 8, 4>, scalar_prefetch = 0 : i64, scratch_operands = 0 : i64, tpu.core_type = #tpu.core_type<tc>, window_params = [{pipeline_mode = #tpu.pipeline_mode<synchronous>, transform_indices = @transform_0, window_bounds = array<i64: 16, 1024>}, {pipeline_mode = #tpu.pipeline_mode<synchronous>, transform_indices = @transform_1, window_bounds = array<i64: 16, 1024>}, {pipeline_mode = #tpu.pipeline_mode<synchronous>, transform_indices = @transform_2, window_bounds = array<i64: 16, 8>}, {transform_indices = @transform_3, window_bounds = array<i64: 1, 896, 1024>}, {transform_indices = @transform_4, window_bounds = array<i64: 1, 896, 1024>}, {transform_indices = @transform_5, window_bounds = array<i64: 1, 896, 1024>}, {pipeline_mode = #tpu.pipeline_mode<synchronous>, transform_indices = @transform_6, window_bounds = array<i64: 16, 1024>}]} {
    %mul3A = arith.constant 4 : i32
    %mul3A_0 = arith.muli %arg0, %mul3A : i32
    %add3A = arith.addi %mul3A_0, %arg1 : i32
    %get3A = arith.constant 0 : index
    %get3A_1 = arith.constant 0 : index
    %get3A_2 = vector.load %arg2[%get3A, %get3A_1] : memref<16x1024xf32, #tpu.memory_space<vmem>>, vector<16x1024xf32>
    %get3A_3 = arith.constant 0 : index
    %get3A_4 = arith.constant 0 : index
    %get3A_5 = arith.constant 0 : index
    %get3A_6 = vector.load %arg5[%get3A_3, %get3A_4, %get3A_5] : memref<1x896x1024xf32, #tpu.memory_space<vmem>>, vector<1x896x1024xf32>
    %get3A_7 = vector.shape_cast %get3A_6 : vector<1x896x1024xf32> to vector<896x1024xf32>
    %dot_general3A = arith.constant dense<0.000000e+00> : vector<16x896xf32>
    %dot_general3A_8 = tpu.matmul %get3A_2, %get3A_7, %dot_general3A {dimension_numbers = #tpu.dot_dimension_numbers<[1], [1], [0], [0], [0, 0, 1, 0], [], []>, transpose_lhs_hint = false} : vector<16x1024xf32>, vector<896x1024xf32>, vector<16x896xf32> -> vector<16x896xf32>
    %get3A_9 = arith.constant 0 : index
    %get3A_10 = arith.constant 0 : index
    %get3A_11 = arith.constant 0 : index
    %get3A_12 = vector.load %arg6[%get3A_9, %get3A_10, %get3A_11] : memref<1x896x1024xf32, #tpu.memory_space<vmem>>, vector<1x896x1024xf32>
    %get3A_13 = vector.shape_cast %get3A_12 : vector<1x896x1024xf32> to vector<896x1024xf32>
    %dot_general3A_14 = arith.constant dense<0.000000e+00> : vector<16x896xf32>
    %dot_general3A_15 = tpu.matmul %get3A_2, %get3A_13, %dot_general3A_14 {dimension_numbers = #tpu.dot_dimension_numbers<[1], [1], [0], [0], [0, 0, 1, 0], [], []>, transpose_lhs_hint = false} : vector<16x1024xf32>, vector<896x1024xf32>, vector<16x896xf32> -> vector<16x896xf32>
    %logistic3A = arith.negf %dot_general3A_8 : vector<16x896xf32>
    %logistic3A_16 = math.exp %logistic3A : vector<16x896xf32>
    %logistic3A_17 = arith.constant 1.000000e+00 : f32
    %logistic3A_18 = vector.broadcast %logistic3A_17 : f32 to vector<16x896xf32>
    %logistic3A_19 = arith.addf %logistic3A_18, %logistic3A_16 : vector<16x896xf32>
    %logistic3A_20 = arith.divf %logistic3A_18, %logistic3A_19 : vector<16x896xf32>
    %mul3A_21 = arith.mulf %dot_general3A_8, %logistic3A_20 : vector<16x896xf32>
    %mul3A_22 = arith.mulf %mul3A_21, %dot_general3A_15 : vector<16x896xf32>
    %get3A_23 = arith.constant 0 : index
    %get3A_24 = arith.constant 0 : index
    %get3A_25 = arith.constant 0 : index
    %get3A_26 = vector.load %arg7[%get3A_23, %get3A_24, %get3A_25] : memref<1x896x1024xf32, #tpu.memory_space<vmem>>, vector<1x896x1024xf32>
    %get3A_27 = vector.shape_cast %get3A_26 : vector<1x896x1024xf32> to vector<896x1024xf32>
    %dot_general3A_28 = arith.constant dense<0.000000e+00> : vector<16x1024xf32>
    %dot_general3A_29 = tpu.matmul %mul3A_22, %get3A_27, %dot_general3A_28 {dimension_numbers = #tpu.dot_dimension_numbers<[1], [0], [0], [1], [0, 0, 1, 1], [], []>, transpose_lhs_hint = false} : vector<16x896xf32>, vector<896x1024xf32>, vector<16x1024xf32> -> vector<16x1024xf32>
    %iota3A = tpu.iota {dimensions = array<i32: 1>} : vector<16x8xi32>
    %eq3A = vector.broadcast %arg0 : i32 to vector<16x8xi32>
    %eq3A_30 = arith.cmpi eq, %iota3A, %eq3A : vector<16x8xi32>
    %get3A_31 = arith.constant 0 : index
    %get3A_32 = arith.constant 0 : index
    %get3A_33 = vector.load %arg4[%get3A_31, %get3A_32] : memref<16x8xf32, #tpu.memory_space<vmem>>, vector<16x8xf32>
    %jit3A = arith.constant 0.000000e+00 : f32
    %broadcast_in_dim3A = vector.broadcast %jit3A : f32 to vector<16x8xf32>
    %select_n3A = arith.select %eq3A_30, %get3A_33, %broadcast_in_dim3A : vector<16x8xi1>, vector<16x8xf32>
    %reduce_sum3A = arith.constant dense<0.000000e+00> : vector<16xf32>
    %reduce_sum3A_34 = vector.multi_reduction <add>, %select_n3A, %reduce_sum3A [1] : vector<16x8xf32> to vector<16xf32>
    %broadcast_in_dim3A_35 = vector.shape_cast %reduce_sum3A_34 : vector<16xf32> to vector<16x1xf32>
    %mul3A_36 = vector.broadcast %broadcast_in_dim3A_35 : vector<16x1xf32> to vector<16x1024xf32>
    %mul3A_37 = arith.mulf %dot_general3A_29, %mul3A_36 : vector<16x1024xf32>
    %eq3A_38 = arith.constant 0 : i32
    %eq3A_39 = arith.cmpi eq, %add3A, %eq3A_38 : i32
    %convert_element_type3A = arith.extui %eq3A_39 : i1 to i32
    %cond3A = arith.constant 0 : i32
    %cond3A_40 = arith.cmpi ne, %convert_element_type3A, %cond3A : i32
    scf.if %cond3A_40 {
      %get3A_45 = arith.constant 0 : index
      %get3A_46 = arith.constant 0 : index
      %get3A_47 = vector.load %arg3[%get3A_45, %get3A_46] : memref<16x1024xf32, #tpu.memory_space<vmem>>, vector<16x1024xf32>
      %add3A_48 = arith.addf %get3A_47, %mul3A_37 : vector<16x1024xf32>
      %swap3A = arith.constant 0 : index
      %swap3A_49 = arith.constant 0 : index
      %swap3A_50 = vector.load %arg8[%swap3A, %swap3A_49] : memref<16x1024xf32, #tpu.memory_space<vmem>>, vector<16x1024xf32>
      tpu.vector_store %arg8[%swap3A, %swap3A_49], %add3A_48 {strides = array<i32>} : memref<16x1024xf32, #tpu.memory_space<vmem>>, vector<16x1024xf32>,
    } else {
    }
    %ne3A = arith.constant 0 : i32
    %ne3A_41 = arith.cmpi ne, %add3A, %ne3A : i32
    %convert_element_type3A_42 = arith.extui %ne3A_41 : i1 to i32
    %cond3A_43 = arith.constant 0 : i32
    %cond3A_44 = arith.cmpi ne, %convert_element_type3A_42, %cond3A_43 : i32
    scf.if %cond3A_44 {
      %get3A_45 = arith.constant 0 : index
      %get3A_46 = arith.constant 0 : index
      %get3A_47 = vector.load %arg8[%get3A_45, %get3A_46] : memref<16x1024xf32, #tpu.memory_space<vmem>>, vector<16x1024xf32>
      %add3A_48 = arith.addf %get3A_47, %mul3A_37 : vector<16x1024xf32>
      %swap3A = arith.constant 0 : index
      %swap3A_49 = arith.constant 0 : index
      %swap3A_50 = vector.load %arg8[%swap3A, %swap3A_49] : memref<16x1024xf32, #tpu.memory_space<vmem>>, vector<16x1024xf32>
      tpu.vector_store %arg8[%swap3A, %swap3A_49], %add3A_48 {strides = array<i32>} : memref<16x1024xf32, #tpu.memory_space<vmem>>, vector<16x1024xf32>,
    } else {
    }
    return
  }
  func.func @transform_0(%arg0: i32, %arg1: i32) -> (i32, i32) {
    %c0_i32 = arith.constant 0 : i32
    %c0_i32_0 = arith.constant 0 : i32
    %c0_i32_1 = arith.constant 0 : i32
    return %c0_i32, %c0_i32_0 : i32, i32
  }
  func.func @transform_1(%arg0: i32, %arg1: i32) -> (i32, i32) {
    %c0_i32 = arith.constant 0 : i32
    %c0_i32_0 = arith.constant 0 : i32
    %c0_i32_1 = arith.constant 0 : i32
    return %c0_i32, %c0_i32_0 : i32, i32
  }
  func.func @transform_2(%arg0: i32, %arg1: i32) -> (i32, i32) {
    %c0_i32 = arith.constant 0 : i32
    %c0_i32_0 = arith.constant 0 : i32
    %c0_i32_1 = arith.constant 0 : i32
    return %c0_i32, %c0_i32_0 : i32, i32
  }
  func.func @transform_3(%arg0: i32, %arg1: i32) -> (i32, i32, i32) {
    %c0_i32 = arith.constant 0 : i32
    %c0_i32_0 = arith.constant 0 : i32
    return %arg0, %arg1, %c0_i32 : i32, i32, i32
  }
  func.func @transform_4(%arg0: i32, %arg1: i32) -> (i32, i32, i32) {
    %c0_i32 = arith.constant 0 : i32
    %c0_i32_0 = arith.constant 0 : i32
    return %arg0, %arg1, %c0_i32 : i32, i32, i32
  }
  func.func @transform_5(%arg0: i32, %arg1: i32) -> (i32, i32, i32) {
    %c0_i32 = arith.constant 0 : i32
    %c0_i32_0 = arith.constant 0 : i32
    return %arg0, %arg1, %c0_i32 : i32, i32, i32
  }
  func.func @transform_6(%arg0: i32, %arg1: i32) -> (i32, i32) {
    %c0_i32 = arith.constant 0 : i32
    %c0_i32_0 = arith.constant 0 : i32
    %c0_i32_1 = arith.constant 0 : i32
    return %c0_i32, %c0_i32_0 : i32, i32
  }
}

</mosaic_0001>

<sc_bundles>
// kernel: kernel.5.cloned.1.call-start
scs
__scs_entry_jumppad:
0x0: {  	(pc) =	sbr.rel $0x88, $3  }
0x1: {  	(tag) =	ssettag $0x0;
	lr =	simm.s32 $0x1  }
0x2: {  	[smem:$0x3F92] =	sst lr;
	_ =	strace $0xD0000000  }
0x3: {  	_ = 	snop  }
0x4: {  	_ = 	snop  }
0x5: {  	_ = 	snop  }
0x6: {  	_ = 	snop  }
0x7: {  	_ = 	snop  }
__scs_overlays_trampoline_lowered:
0x8: {  	[smem:$0x3FA1] =	sst s0  }
0x9: {  	[smem:$0x3FA2] =	sst s1  }
0xa: {  	[smem:$0x3FA3] =	sst s2  }
0xb: {  	[smem:$0x3FA4] =	sst s3  }
0xc: {  	[smem:$0x3FA5] =	sst s4  }
0xd: {  	[smem:$0x3FA6] =	sst s5  }
0xe: {  	[smem:$0x3FA7] =	sst s6  }
0xf: {  	[smem:$0x3FA8] =	sst s7  }
0x10: {  	[smem:$0x3FA9] =	sst s8  }
0x11: {  	[smem:$0x3FAA] =	sst s9;
	s0 =	simm.s32 @!p0 $0x0  }
0x12: {  	s1 =	sld [smem:$0x3F90];
	s0 =	simm.s32 @p0 $0x1  }
0x13: {  	[smem:$0x3FAB] =	sst s0;
	s0 =	simm.s32 @!p1 $0x0  }
0x14: {  	s2 =	sld [smem:$0x3F8F];
	s0 =	simm.s32 @p1 $0x1  }
0x15: {  	[smem:$0x3FAC] =	sst s0;
	s0 =	simm.s32 @!p2 $0x0  }
0x16: {  	s3 =	sld [smem:$0x3FDB];
	s0 =	simm.s32 @p2 $0x1  }
0x17: {  	s4 =	simm.s32 $0x1BF5;
	[smem:$0x3FAE] =	sst s0  }
0x18: {  	s0 =	sld [smem:$0x3F91];
	_ =	swait.ge [sflag:s4], $0x0  }
0x19: {  	s7 =	sld [smem:$0x3F92]  }
0x1a: {  	s8 =	sadd.s32 $0xFFFFE003, lr  }
0x1b: {  	s9 =	sadd.s32 $0xFFFFFEF7, lr;
	s5 =	simm.s32 $0xFFFFFFFF;
	p2 =	slt.u32 s8, $0xFFFFF086  }
0x1c: {  	p1 =	slt.u32 s9, $0xF7A;
	s5 =	simm.s32 @!p2 $0x0  }
0x1d: {  	s5 =	simm.s32 @p1 $0x1;
	p0 =	seq.s32 s7, s2  }
0x1e: {  	s7 =	smul.u32 @!p0 $0xF7A, s2;
	p2 =	seq.s32 @!p0 s5, $0x0  }
0x1f: {  	s9 =	smul.u32 $0xF7A, s1;
	s8 =	simm.s32 @!p0 $0x1BF5;
	p2 =	por !p2, p0  }
0x20: {  	[sflag:s8] =	ssyncset.s32 @!p0 $0xFFFFF086;
	s6 =	sadd.s32 @!p0 s3, s7;
	s7 =	simm.s32 @!p0 $0x108  }
0x21: {  	s3 =	sadd.s32 s3, s9;
	s6 =	sadd.s32 @!p0 $0x88, s6;
	s7 =	simm.s32 @p2 $0x1082  }
0x22: {  	[simem:s7], [sflag:s8] =	dma.local @!p0 [hbm:s6], $0xF7A  }
0x23: {  	s9 =	sor.u32 $0xD0000000, s2;
	s6 =	simm.s32 $0x108;
	_ =	swait.ge @!p0 [sflag:s8], $0x0  }
0x24: {  	s3 =	sadd.s32 $0x88, s3;
	s6 =	simm.s32 @!p1 $0x1082;
	[sflag:s4] =	ssyncset.s32 $0xFFFFF086  }
0x25: {  	[simem:s6], [sflag:s4] =	dma.local [hbm:s3], $0xF7A  }
0x26: {  	[smem:$0x3F92] =	sst s1;
	(tag) =	ssettag s2;
	_ =	strace s9  }
0x27: {  	s1 =	sld [smem:$0x3FA2]  }
0x28: {  	s2 =	sld [smem:$0x3FA3]  }
0x29: {  	s4 =	sld [smem:$0x3FA5]  }
0x2a: {  	p0 =	seq.s32 s5, $0x0;
	s5 =	sld [smem:$0x3FA6]  }
0x2b: {  	s6 =	sld [smem:$0x3FA7]  }
0x2c: {  	s7 =	sld [smem:$0x3FA8]  }
0x2d: {  	s3 =	simm.s32 $0x108;
	s8 =	sld [smem:$0x3FA9]  }
0x2e: {  	s3 =	simm.s32 @!p0 $0x1082;
	s9 =	sld [smem:$0x3FAA]  }
0x2f: {  	lr =	sadd.s32 s0, s3;
	s0 =	sld [smem:$0x3FA1]  }
0x30: {  	s3 =	sld [smem:$0x3FA4]  }
0x31: {  	[smem:$0x3FAD] =	sst s10  }
0x32: {  	s10 =	sld [smem:$0x3FAB];
	_ =	sdelay $0x3  }
0x33: {  	p0 =	seq.s32 s10, $0x1;
	s10 =	sld [smem:$0x3FAD];
	_ =	sdelay $0x3  }
0x34: {  	[smem:$0x3FAD] =	sst s10  }
0x35: {  	s10 =	sld [smem:$0x3FAC];
	_ =	sdelay $0x3  }
0x36: {  	p1 =	seq.s32 s10, $0x1;
	s10 =	sld [smem:$0x3FAD];
	_ =	sdelay $0x3  }
0x37: {  	[smem:$0x3FAD] =	sst s10  }
0x38: {  	s10 =	sld [smem:$0x3FAE]  }
0x39: {  	_ = 	snop;
	(pc) =	sbr.ind lr, $3  }
0x3a: {  	_ = 	snop  }
0x3b: {  	_ = 	snop  }
0x3c: {  	p2 =	seq.s32 s10, $0x1;
	s10 =	sld [smem:$0x3FAD]  }
0x3d: {  	_ =	shalt  }
0x3e: {  	_ =	shalt  }
0x3f: {  	_ =	shalt  }
0x40: {  	_ =	shalt  }
0x41: {  	_ =	shalt  }
0x42: {  	_ =	shalt  }
0x43: {  	_ =	shalt  }
0x44: {  	_ =	shalt  }
0x45: {  	_ =	shalt  }
0x46: {  	_ =	shalt  }
0x47: {  	_ =	shalt  }
0x48: {  	_ =	shalt  }
0x49: {  	_ =	shalt  }
0x4a: {  	_ =	shalt  }
0x4b: {  	_ =	shalt  }
0x4c: {  	_ =	shalt  }
0x4d: {  	_ =	shalt  }
0x4e: {  	_ =	shalt  }
0x4f: {  	_ =	shalt  }
0x50: {  	_ =	shalt  }
0x51: {  	_ =	shalt  }
0x52: {  	_ =	shalt  }
0x53: {  	_ =	shalt  }
0x54: {  	_ =	shalt  }
0x55: {  	_ =	shalt  }
0x56: {  	_ =	shalt  }
0x57: {  	_ =	shalt  }
0x58: {  	_ =	shalt  }
0x59: {  	_ =	shalt  }
0x5a: {  	_ =	shalt  }
0x5b: {  	_ =	shalt  }
0x5c: {  	_ =	shalt  }
0x5d: {  	_ =	shalt  }
0x5e: {  	_ =	shalt  }
0x5f: {  	_ =	shalt  }
0x60: {  	_ =	shalt  }
0x61: {  	_ =	shalt  }
0x62: {  	_ =	shalt  }
0x63: {  	_ =	shalt  }
0x64: {  	_ =	shalt  }
0x65: {  	_ =	shalt  }
0x66: {  	_ =	shalt  }
0x67: {  	_ =	shalt  }
0x68: {  	_ =	shalt  }
0x69: {  	_ =	shalt  }
0x6a: {  	_ =	shalt  }
0x6b: {  	_ =	shalt  }
0x6c: {  	_ =	shalt  }
0x6d: {  	_ =	shalt  }
0x6e: {  	_ =	shalt  }
0x6f: {  	_ =	shalt  }
0x70: {  	_ =	shalt  }
0x71: {  	_ =	shalt  }
0x72: {  	_ =	shalt  }
0x73: {  	_ =	shalt  }
0x74: {  	_ =	shalt  }
0x75: {  	_ =	shalt  }
0x76: {  	_ =	shalt  }
0x77: {  	_ =	shalt  }
0x78: {  	_ =	shalt  }
0x79: {  	_ =	shalt  }
0x7a: {  	_ =	shalt  }
0x7b: {  	_ =	shalt  }
0x7c: {  	_ =	shalt  }
0x7d: {  	_ =	shalt  }
0x7e: {  	_ =	shalt  }
0x7f: {  	_ =	shalt  }
0x80: {  	_ =	shalt  }
0x81: {  	_ =	shalt  }
0x82: {  	_ =	shalt  }
0x83: {  	_ =	shalt  }
0x84: {  	_ =	shalt  }
0x85: {  	_ =	shalt  }
0x86: {  	_ =	shalt  }
0x87: {  	_ =	shalt  }
.Lfunc_end0:
.L_simem_size_0:
called_computation.1_lowered:
.L_overlay_start_0:
0x88: {  	s2 =	sld [smem:$0x3FD9]  }
0x89: {  	s3 =	sld [smem:$0x3FFE];
	_ =	sdelay $0x1  }
0x8a: {  	s1 =	srdreg.scid  }
0x8b: {  	s0 =	sand.u32 $0x1, s1  }
0x8c: {  	s17 =	sshll.u32 s0, $0xA;
	s2 =	sadd.s32 s3, s2  }
0x8d: {  	s2 =	sadd.s32 s2, s17  }
0x8e: {  	[smem:$0x3FB9] =	sst s2  }
0x8f: {  	_ = 	snop  }
0x90: {  	s2 =	sld [smem:$0x3FD0];
	(tm) =	ssettm $0x1  }
0x91: {  	s18 =	sld [smem:$0x3FFB];
	_ =	sdelay $0x3  }
0x92: {  	_ =	strace s18  }
0x93: {  	s3 =	sld [smem:$0x3FFC];
	_ =	sdelay $0x3  }
0x94: {  	_ =	strace s3  }
0x95: {  	s3 =	sld [smem:$0x3FFD];
	_ =	sdelay $0x3  }
0x96: {  	_ =	strace s3  }
0x97: {  	_ =	strace $0x8FFFFFFF  }
0x98: {  	s19 =	sld [smem:$0x3FDB];
	_ =	sdelay $0x1  }
0x99: {  	s4 =	simm.s32 $_scs_section_size  }
0x9a: {  	s5 =	simm.s32 $_size__tile_overlayer_lowered;
	s6 =	simm.s32 $_tile_overlayer_lowered  }
0x9b: {  	s22 =	simm.s32 $0x1BFF;
	s21 =	sshll.u32 s6, $0x1;
	s3 =	sadd.s32 s4, s19  }
0x9c: {  	s7 =	simm.s32 $0x0;
	s20 =	sshll.u32 s5, $0x1;
	s5 =	sadd.s32 s21, s3  }
0x9d: {  	[timem:s7], [sflag:s22] =	dma.local [hbm:s5], s20  }
0x9e: {  	_ =	swait.ge [sflag:s22], s20  }
0x9f: {  	s4 =	ssub.s32 $0x0, s20;
	[sflag:s22] =	ssyncset.done $0x0  }
0xa0: {  	[sflag:s22] =	ssyncadd.s32 s4;
	_ =	sdelay $0x1  }
0xa1: {  	s23 =	simm.s32 $0x1B8B  }
0xa2: {  	_ =	swait.ge [sflag:s23], $0x1  }
0xa3: {  	[sflag:s23] =	ssyncset.done $0x0  }
0xa4: {  	s25 =	simm.s32 $0x1B8E;
	s24 =	sld [smem:$0x3FFE];
	[sflag:s23] =	ssyncadd.s32 $0xFFFFFFFF  }
0xa5: {  	s26 =	simm.s32 $execute0_lowered;
	[smem:$0x3FD2] =	sst s25  }
0xa6: {  	s5 =	sshll.u32 s26, $0x1;
	_ =	strace $0x80000049;
	[dreg:$0x1] =	wrdreg $0xFFFFFFFF  }
0xa7: {  	s28 =	simm.s32 $_size_execute0_lowered;
	s3 =	sadd.s32 s3, s5;
	[dreg:$0x0] =	wrdreg $0x0  }
0xa8: {  	s5 =	sshll.u32 s28, $0x1;
	[dreg:$0x2] =	wrdreg s3  }
0xa9: {  	[dreg:$0x3] =	wrdreg s5  }
0xaa: {  	[dreg:$0x4] =	wrdreg $0xC0  }
0xab: {  	_ =	task [dreg:s7], $0x5FFFF  }
0xac: {  	[dreg:$0x1] =	wrdreg $0xFFFFFFFF  }
0xad: {  	[dreg:$0x0] =	wrdreg $0x60  }
0xae: {  	[dreg:$0x2] =	wrdreg s2  }
0xaf: {  	[dreg:$0x3] =	wrdreg s24  }
0xb0: {  	[dreg:$0x4] =	wrdreg $0x9  }
0xb1: {  	_ =	task.clear_ibuf [dreg:s7], $0x5FFFF;
	_ =	strace $0x90000049  }
0xb2: {  	s29 =	simm.s32 $0x9;
	_ =	strace $0x8000004B  }
0xb3: {  	_ =	swait.ge [sflag:s29], $0x1  }
0xb4: {  	[sflag:s29] =	ssyncadd.s32 $0xFFFFFFFF  }
0xb5: {  	_ =	strace $0x9000004B  }
0xb6: {  	_ =	sfence  }
0xb7: {  	s30 =	sld [smem:$0x0];
	_ =	sdelay $0x2  }
0xb8: {  	s31 =	sshll.u32 s1, $0xD;
	s1 =	sshrl.u32 s1, $0x2  }
0xb9: {  	s3 =	sand.u32 $0x4000, s31;
	s1 =	sadd.s32 s1, s30  }
0xba: {  	s0 =	sor.u32 s3, s0;
	s1 =	sshll.u32 s1, $0x11  }
0xbb: {  	s0 =	sor.u32 s1, s0  }
0xbc: {  	s0 =	sadd.s32 $0x8F2B, s0  }
0xbd: {  	[sflag:s0] =	ssyncadd.remote.s32 $0x1  }
0xbe: {  	_ =	sfence.sel $0xFFFF  }
0xbf: {  	[dreg:$0x0] =	wrdreg $0xFFFFFFFF;
	(pc) =	sbr.abs _section_cstart, $3  }
0xc0: {  	[dreg:$0x1] =	wrdreg $0xFFFFFFFF  }
0xc1: {  	_ =	task.clear_ibuf [dreg:s7], $0x2FFFF;
	_ =	strace $0x9FFFFFFF  }
0xc2: {  	(tm) =	ssettm $0x7FFFFFFF  }
0xc3: {  	_ =	shalt  }
tec
execute0_lowered:
.L_overlay_start_1:
0x0: {  	(tag) =	ssettag $0x1  }
0x1: {  	s0 =	srdreg.scid  }
0x2: {  	s6 =	sand.u32 $0x1, s0;
	s0 =	stileid.u32  }
0x3: {  	s3 =	sor.u32 s0, s6  }
0x4: {  	p0 =	sne.s32 s3, $0x0  }
.Ltmp0:
0x5: {  	_ = 	snop;
	(pc) =	sbr.rel @p0 .LBB2_4-.Ltmp0, $4  }
0x6: {  	_ = 	snop  }
0x7: {  	s2 =	rddreg [dreg:$0x0]  }
0x8: {  	s5 =	rddreg [dreg:$0x1]  }
0x9: {  	s1 =	rddreg [dreg:$0x2];
	_ =	strace $0x8000004A  }
0xa: {  	s4 =	simm.s32 $0x0;
	s3 =	simm.s32 $0x1  }
0xb: {  	[tilespmem:s4], [sflag:$0x1] =	stream.linear.gather [hbm4b:s2+s4], $0x400, $0x38;
	[tilespmem:$0x800] =	vst v63  }
0xc: {  	_ =	swait.ge [sflag:s3], $0x400  }
0xd: {  	[sflag:s3] =	ssyncset.done $0x0  }
0xe: {  	[sflag:s3] =	ssyncadd.s32 $0xFFFFFC00  }
0xf: {  	v1 =	vld [tilespmem:$0x0];
	_ =	sdelay $0x1  }
0x10: {  	v2 =	vld [tilespmem:$0x80];
	_ =	sdelay $0x1  }
0x11: {  	v3 =	vld [tilespmem:$0x100]  }
0x12: {  	vm2 =	vgt.f32 v1, $-1.000000020e+30  }
0x13: {  	v4 =	vld [tilespmem:$0x180];
	v0 =	vnsel vm2, $0xF149F2CA, v1  }
0x14: {  	vm0 =	vgt.f32 v2, v0  }
0x15: {  	v5 =	vld [tilespmem:$0x200];
	v0 =	vsel vm0, v2, v0  }
0x16: {  	vm1 =	vgt.f32 v3, v0  }
0x17: {  	v6 =	vld [tilespmem:$0x280];
	v0 =	vsel vm1, v3, v0  }
0x18: {  	vm3 =	vgt.f32 v4, v0  }
0x19: {  	v8 =	vld [tilespmem:$0x300];
	v7 =	vsel vm3, v4, v0  }
0x1a: {  	vm4 =	vgt.f32 v5, v7  }
0x1b: {  	v9 =	vld [tilespmem:$0x380];
	v0 =	vimm.s32 $0x0;
	v7 =	vsel vm4, v5, v7  }
0x1c: {  	v10 =	vsel vm0, $0x1, v0;
	vm14 =	vgt.f32 v6, v7  }
0x1d: {  	v10 =	vsel vm1, $0x2, v10;
	v7 =	vsel vm14, v6, v7  }
0x1e: {  	v10 =	vsel vm3, $0x3, v10;
	vm15 =	vgt.f32 v8, v7  }
0x1f: {  	v10 =	vsel vm4, $0x4, v10;
	v7 =	vsel vm15, v8, v7  }
0x20: {  	v10 =	vsel vm14, $0x5, v10;
	vm6 =	vgt.f32 v9, v7  }
0x21: {  	v10 =	vsel vm15, $0x6, v10;
	vm0 =	vmneg vm6  }
0x22: {  	v10 =	vnsel vm0, $0x7, v10  }
0x23: {  	vm7 =	vne.s32 v10, $0x0  }
0x24: {  	vm2 =	vmand vm2, vm7  }
0x25: {  	v1 =	vnsel vm2, $0xF149F2CA, v1  }
0x26: {  	vm8 =	vne.s32 v10, $0x1;
	vm2 =	vgt.f32 v2, v1  }
0x27: {  	vm2 =	vmand vm8, vm2  }
0x28: {  	v1 =	vsel vm2, v2, v1  }
0x29: {  	vm10 =	vne.s32 v10, $0x2;
	vm9 =	vgt.f32 v3, v1  }
0x2a: {  	vm4 =	vmand vm10, vm9  }
0x2b: {  	v1 =	vsel vm4, v3, v1  }
0x2c: {  	vm5 =	vne.s32 v10, $0x3;
	vm11 =	vgt.f32 v4, v1  }
0x2d: {  	vm5 =	vmand vm5, vm11  }
0x2e: {  	v1 =	vsel vm5, v4, v1  }
0x2f: {  	vm6 =	vne.s32 v10, $0x4;
	vm12 =	vgt.f32 v5, v1  }
0x30: {  	vm6 =	vmand vm6, vm12  }
0x31: {  	v1 =	vsel vm6, v5, v1  }
0x32: {  	vm7 =	vne.s32 v10, $0x5;
	vm13 =	vgt.f32 v6, v1  }
0x33: {  	vm7 =	vmand vm7, vm13  }
0x34: {  	v1 =	vsel vm7, v6, v1  }
0x35: {  	vm14 =	vgt.f32 v8, v1  }
0x36: {  	vm1 =	vmand vm15, vm0;
	vm3 =	vmneg vm14  }
0x37: {  	vm8 =	vmor vm1, vm3  }
0x38: {  	v1 =	vsel vm8, v1, v8  }
0x39: {  	vm15 =	vgt.f32 v9, v1  }
0x3a: {  	vm3 =	vmand vm0, vm15  }
0x3b: {  	v2 =	vsel vm0, v7, v9;
	v1 =	vsel vm3, v9, v1  }
0x3c: {  	v1 =	vsub.f32 v1, v2;
	_ =	sdelay $0x1  }
0x3d: {  	v1 =	vmul.f32 $1.442695020e+00, v1;
	_ =	sdelay $0x1  }
0x3e: {  	(erf) = vpow2.f32 v1;
	_ =	sdelay $0x8  }
0x3f: {  	v1 =	vpop (erf)  }
0x40: {  	v2 =	vadd.f32 $1.000000000e+00, v1;
	_ =	sdelay $0x1  }
0x41: {  	(erf) = vrcp.f32 v2;
	_ =	sdelay $0x2  }
0x42: {  	v2 =	vsel vm2, $0x1, v0  }
0x43: {  	v2 =	vsel vm4, $0x2, v2  }
0x44: {  	v2 =	vsel vm5, $0x3, v2  }
0x45: {  	vm9 =	veq.s32 v10, $0x1;
	v2 =	vsel vm6, $0x4, v2  }
0x46: {  	vm2 =	veq.s32 v10, $0x4;
	vm4 =	vmor vm3, vm8;
	v2 =	vsel vm7, $0x5, v2  }
0x47: {  	vm5 =	veq.s32 v10, $0x2;
	vm6 =	veq.s32 v10, $0x3;
	v2 =	vnsel vm8, $0x6, v2  }
0x48: {  	vm7 =	veq.s32 v10, $0x5;
	vm8 =	veq.s32 v10, $0x0;
	v2 =	vsel vm3, $0x7, v2;
	v3 =	vpop (erf)  }
0x49: {  	vm10 =	veq.s32 v2, $0x5;
	vm11 =	veq.s32 v2, $0x2;
	v1 =	vmul.f32 v3, v1  }
0x4a: {  	vm12 =	veq.s32 v2, $0x3;
	vm13 =	veq.s32 v2, $0x0;
	vm14 =	veq.s32 v2, $0x1  }
0x4b: {  	s6 =	ssub.s32 $0x2, s6;
	vm15 =	veq.s32 v2, $0x4;
	v3 =	vsub.f32 $1.000000000e+00, v1;
	v4 =	vsel vm4, $0x0, v1  }
0x4c: {  	s7 =	sshrl.u32 s6, $0x1;
	v5 =	vnsel vm3, $0x0, v1;
	v2 =	vnsel vm13, $0x0, v1;
	v6 =	vnsel vm14, $0x0, v1  }
0x4d: {  	s7 =	ssub.s32 s6, s7;
	v7 =	vnsel vm15, $0x0, v1;
	v59 =	vnsel vm12, $0x0, v1;
	v57 =	vnsel vm8, $0x0, v3  }
0x4e: {  	p0 =	sne.s32 s7, $0x1;
	v11 =	vnsel vm11, $0x0, v1;
	v60 =	vnsel vm6, $0x0, v3;
	v2 =	vadd.f32 v57, v2  }
.Ltmp1:
0x4f: {  	v12 =	vnsel vm10, $0x0, v1;
	v58 =	vnsel vm9, $0x0, v3;
	v8 =	vadd.f32 v60, v59;
	(pc) =	sbr.rel @!p0 .LBB2_3-.Ltmp1, $4  }
0x50: {  	v61 =	vnsel vm7, $0x0, v3;
	v1 =	vnsel vm5, $0x0, v3;
	[tilespmem:$0x400] =	vst v2;
	v2 =	vadd.f32 v58, v6  }
0x51: {  	v63 =	vnsel vm1, $0x0, v3;
	v62 =	vadd.f32 v61, v12;
	v6 =	vnsel vm2, $0x0, v3;
	[tilespmem:$0x580] =	vst v8  }
0x52: {  	[tilespmem:$0x480] =	vst v2;
	v2 =	vadd.f32 v6, v7;
	v6 =	vsel vm0, $0x0, v3;
	v3 =	vadd.f32 v63, v4  }
0x53: {  	s5 =	sadd.s32 $0x2000, s5;
	s6 =	simm.s32 $0x400;
	s7 =	sadd.s32 $0xFFFFFFFF, s7;
	v1 =	vadd.f32 v1, v11;
	[tilespmem:$0x680] =	vst v62;
	v4 =	vadd.f32 v6, v5  }
.LBB2_2:
0x54: {  	p0 =	sne.s32 s7, $0x1;
	s7 =	sadd.s32 $0xFFFFFFFF, s7;
	[tilespmem:$0x700] =	vst v3  }
0x55: {  	[tilespmem:$0x780] =	vst v4  }
0x56: {  	[tilespmem:$0x600] =	vst v2  }
0x57: {  	[tilespmem:$0x500] =	vst v1  }
0x58: {  	[hbm4b:s5+s4] =	stream.linear.scatter [tilespmem:s6], [sflag:$0x1], $0x400, $0x38;
	[tilespmem:$0x800] =	vst v63  }
0x59: {  	_ =	swait.ge [sflag:s3], $0x400  }
0x5a: {  	[sflag:s3] =	ssyncset.done $0x0  }
0x5b: {  	[sflag:s3] =	ssyncadd.s32 $0xFFFFFC00  }
0x5c: {  	[tilespmem:s4], [sflag:$0x1] =	stream.linear.gather [hbm4b:s2+s4], $0x400, $0x38;
	[tilespmem:$0x800] =	vst v63  }
0x5d: {  	_ =	swait.ge [sflag:s3], $0x400  }
0x5e: {  	[sflag:s3] =	ssyncset.done $0x0  }
0x5f: {  	[sflag:s3] =	ssyncadd.s32 $0xFFFFFC00  }
0x60: {  	v1 =	vld [tilespmem:$0x0];
	_ =	sdelay $0x1  }
0x61: {  	v2 =	vld [tilespmem:$0x80];
	_ =	sdelay $0x1  }
0x62: {  	v3 =	vld [tilespmem:$0x100]  }
0x63: {  	vm2 =	vgt.f32 v1, $-1.000000020e+30  }
0x64: {  	v4 =	vnsel vm2, $0xF149F2CA, v1;
	v5 =	vld [tilespmem:$0x180]  }
0x65: {  	vm0 =	vgt.f32 v2, v4  }
0x66: {  	v4 =	vsel vm0, v2, v4;
	v6 =	vld [tilespmem:$0x200]  }
0x67: {  	vm1 =	vgt.f32 v3, v4  }
0x68: {  	v4 =	vsel vm1, v3, v4;
	v7 =	vld [tilespmem:$0x280]  }
0x69: {  	vm3 =	vgt.f32 v5, v4  }
0x6a: {  	v4 =	vsel vm3, v5, v4;
	v8 =	vld [tilespmem:$0x300]  }
0x6b: {  	vm4 =	vgt.f32 v6, v4  }
0x6c: {  	v4 =	vsel vm4, v6, v4;
	v9 =	vld [tilespmem:$0x380]  }
0x6d: {  	v10 =	vsel vm0, $0x1, v0;
	vm0 =	vgt.f32 v7, v4  }
0x6e: {  	v10 =	vsel vm1, $0x2, v10;
	v4 =	vsel vm0, v7, v4  }
0x6f: {  	v10 =	vsel vm3, $0x3, v10;
	vm1 =	vgt.f32 v8, v4  }
0x70: {  	v10 =	vsel vm4, $0x4, v10;
	v4 =	vsel vm1, v8, v4  }
0x71: {  	v10 =	vsel vm0, $0x5, v10;
	vm0 =	vgt.f32 v9, v4  }
0x72: {  	v10 =	vsel vm1, $0x6, v10;
	vm0 =	vmneg vm0  }
0x73: {  	v10 =	vnsel vm0, $0x7, v10;
	v4 =	vsel vm0, v4, v9  }
0x74: {  	vm3 =	vne.s32 v10, $0x0  }
0x75: {  	vm2 =	vmand vm2, vm3  }
0x76: {  	v1 =	vnsel vm2, $0xF149F2CA, v1  }
0x77: {  	vm3 =	vne.s32 v10, $0x1;
	vm2 =	vgt.f32 v2, v1  }
0x78: {  	vm2 =	vmand vm3, vm2  }
0x79: {  	v11 =	vsel vm2, $0x1, v0;
	v1 =	vsel vm2, v2, v1  }
0x7a: {  	vm3 =	vne.s32 v10, $0x2;
	vm2 =	vgt.f32 v3, v1  }
0x7b: {  	vm2 =	vmand vm3, vm2  }
0x7c: {  	v2 =	vsel vm2, $0x2, v11;
	v1 =	vsel vm2, v3, v1  }
0x7d: {  	vm3 =	vne.s32 v10, $0x3;
	vm2 =	vgt.f32 v5, v1  }
0x7e: {  	vm2 =	vmand vm3, vm2  }
0x7f: {  	v2 =	vsel vm2, $0x3, v2;
	v1 =	vsel vm2, v5, v1  }
0x80: {  	vm3 =	vne.s32 v10, $0x4;
	vm2 =	vgt.f32 v6, v1  }
0x81: {  	vm2 =	vmand vm3, vm2  }
0x82: {  	v2 =	vsel vm2, $0x4, v2;
	v1 =	vsel vm2, v6, v1  }
0x83: {  	vm3 =	vne.s32 v10, $0x5;
	vm2 =	vgt.f32 v7, v1  }
0x84: {  	vm2 =	vmand vm3, vm2  }
0x85: {  	v1 =	vsel vm2, v7, v1  }
0x86: {  	vm3 =	vgt.f32 v8, v1  }
0x87: {  	vm1 =	vmand vm1, vm0;
	vm3 =	vmneg vm3  }
0x88: {  	vm3 =	vmor vm1, vm3  }
0x89: {  	v1 =	vsel vm3, v1, v8  }
0x8a: {  	v2 =	vsel vm2, $0x5, v2;
	vm2 =	vgt.f32 v9, v1  }
0x8b: {  	v2 =	vnsel vm3, $0x6, v2;
	vm2 =	vmand vm0, vm2  }
0x8c: {  	v2 =	vsel vm2, $0x7, v2;
	v1 =	vsel vm2, v9, v1;
	vm3 =	vmor vm2, vm3  }
0x8d: {  	v1 =	vsub.f32 v1, v4;
	_ =	sdelay $0x1  }
0x8e: {  	v1 =	vmul.f32 $1.442695020e+00, v1;
	_ =	sdelay $0x1  }
0x8f: {  	(erf) = vpow2.f32 v1;
	_ =	sdelay $0x8  }
0x90: {  	v1 =	vpop (erf)  }
0x91: {  	v3 =	vadd.f32 $1.000000000e+00, v1;
	_ =	sdelay $0x1  }
0x92: {  	(erf) = vrcp.f32 v3;
	_ =	sdelay $0x6  }
0x93: {  	vm4 =	veq.s32 v10, $0x4  }
0x94: {  	vm5 =	veq.s32 v10, $0x2;
	vm6 =	veq.s32 v10, $0x3;
	vm7 =	veq.s32 v10, $0x5  }
0x95: {  	vm8 =	veq.s32 v10, $0x0;
	vm9 =	veq.s32 v10, $0x1;
	vm10 =	veq.s32 v2, $0x5;
	v3 =	vpop (erf)  }
0x96: {  	vm11 =	veq.s32 v2, $0x2;
	vm12 =	veq.s32 v2, $0x3;
	v1 =	vmul.f32 v3, v1  }
0x97: {  	vm13 =	veq.s32 v2, $0x0;
	vm14 =	veq.s32 v2, $0x1;
	vm15 =	veq.s32 v2, $0x4  }
0x98: {  	v4 =	vsub.f32 $1.000000000e+00, v1;
	v3 =	vsel vm3, $0x0, v1;
	v5 =	vnsel vm2, $0x0, v1  }
0x99: {  	v2 =	vnsel vm13, $0x0, v1;
	v6 =	vnsel vm14, $0x0, v1;
	v7 =	vnsel vm15, $0x0, v1  }
0x9a: {  	v10 =	vnsel vm12, $0x0, v1;
	v8 =	vnsel vm8, $0x0, v4;
	v9 =	vnsel vm9, $0x0, v4  }
0x9b: {  	v11 =	vnsel vm6, $0x0, v4;
	v2 =	vadd.f32 v8, v2;
	v8 =	vnsel vm11, $0x0, v1  }
.Ltmp2:
0x9c: {  	v12 =	vnsel vm10, $0x0, v1;
	v10 =	vadd.f32 v11, v10;
	v11 =	vnsel vm7, $0x0, v4;
	(pc) =	sbr.rel @p0 .LBB2_2-.Ltmp2, $4  }
0x9d: {  	v1 =	vnsel vm5, $0x0, v4;
	[tilespmem:$0x400] =	vst v2;
	v2 =	vadd.f32 v9, v6;
	v6 =	vnsel vm4, $0x0, v4  }
0x9e: {  	v1 =	vadd.f32 v1, v8;
	v8 =	vadd.f32 v11, v12;
	v9 =	vnsel vm1, $0x0, v4;
	[tilespmem:$0x580] =	vst v10  }
0x9f: {  	v4 =	vsel vm0, $0x0, v4;
	v3 =	vadd.f32 v9, v3;
	[tilespmem:$0x480] =	vst v2;
	v2 =	vadd.f32 v6, v7  }
0xa0: {  	v4 =	vadd.f32 v4, v5;
	[tilespmem:$0x680] =	vst v8  }
.LBB2_3:
0xa1: {  	[tilespmem:$0x700] =	vst v3  }
0xa2: {  	[tilespmem:$0x600] =	vst v2  }
0xa3: {  	[tilespmem:$0x780] =	vst v4  }
0xa4: {  	[tilespmem:$0x500] =	vst v1  }
0xa5: {  	[hbm4b:s5+s4] =	stream.linear.scatter [tilespmem:s6], [sflag:$0x1], $0x400, $0x38;
	[tilespmem:$0x800] =	vst v63  }
0xa6: {  	_ =	swait.ge [sflag:s3], $0x400  }
0xa7: {  	[sflag:s3] =	ssyncset.done $0x0  }
0xa8: {  	[sflag:s3] =	ssyncadd.s32 $0xFFFFFC00  }
.LBB2_4:
0xa9: {  	_ =	sfence.sel $0x180000  }
0xaa: {  	[bflag:$0x0] =	sbarrier.arrive $0xFFFF  }
0xab: {  	p0 =	sne.s32 s0, $0x0;
	_ =	strace $0x9000004A  }
0xac: {  	s0 =	sadd.s32 @!p0 $0x100000, s1;
	[bflag:$0x2] =	sbarrier.arrive $0xFFFF  }
0xad: {  	[sflag:s0] =	ssyncadd.tile.s32 @!p0 $0x1;
	_ =	shalt  }
.Lfunc_end2:
_tile_overlayer_lowered:
.L_overlay_start_2:
0xae: {  	(tag) =	ssettag $0x2  }
0xaf: {  	s0 =	rddreg [dreg:$0x0];
	s2 =	stileid.u32  }
0xb0: {  	s1 =	rddreg [dreg:$0x1];
	p0 =	sne.s32 s2, $0x0  }
0xb1: {  	s3 =	rddreg [dreg:$0x2];
	[bflag:$0x3] =	sbarrier.arrive $0xFFFF;
	s2 =	simm.s32 @!p0 $0x1C01  }
0xb2: {  	[timem:s3], [sflag:s2] =	dma.local @!p0 [hbm:s0], s1  }
0xb3: {  	s0 =	simm.s32 @!p0 $0x1  }
0xb4: {  	_ =	swait.ge @!p0 [sflag:s0], s1  }
0xb5: {  	s1 =	ssub.s32 @!p0 $0x0, s1;
	[sflag:s0] =	ssyncset.done @!p0 $0x0  }
0xb6: {  	[sflag:s0] =	ssyncadd.s32 @!p0 s1  }
0xb7: {  	[bflag:$0x3] =	sbarrier.arrive $0xFFFF  }
0xb8: {  	_ =	shalt  }

// kernel: sparse-core-data-format-call.cloned.1.call-start
scs
called_computation_lowered:
.L_overlay_start_0:
0x0: {  	s1 =	sld [smem:$0x3FD9]  }
0x1: {  	s2 =	sld [smem:$0x3FFE];
	_ =	sdelay $0x1  }
0x2: {  	s3 =	srdreg.scid  }
0x3: {  	s0 =	sand.u32 $0x1, s3  }
0x4: {  	s17 =	sshll.u32 s0, $0xA;
	s1 =	sadd.s32 s2, s1  }
0x5: {  	s1 =	sadd.s32 s1, s17  }
0x6: {  	[smem:$0x3FB9] =	sst s1  }
0x7: {  	_ = 	snop  }
0x8: {  	(tm) =	ssettm $0x1  }
0x9: {  	s18 =	sld [smem:$0x3FFB];
	_ =	sdelay $0x3  }
0xa: {  	_ =	strace s18  }
0xb: {  	s1 =	sld [smem:$0x3FFC];
	_ =	sdelay $0x3  }
0xc: {  	_ =	strace s1  }
0xd: {  	s1 =	sld [smem:$0x3FFD];
	_ =	sdelay $0x3  }
0xe: {  	_ =	strace s1  }
0xf: {  	_ =	strace $0x8FFFFFFF  }
0x10: {  	s19 =	sld [smem:$0x3FDB];
	_ =	sdelay $0x1  }
0x11: {  	s20 =	simm.s32 $_scs_section_size  }
0x12: {  	s4 =	simm.s32 $_size__tile_overlayer_lowered;
	s5 =	simm.s32 $_tile_overlayer_lowered  }
0x13: {  	s23 =	simm.s32 $0x1BFF;
	s22 =	sshll.u32 s5, $0x1;
	s1 =	sadd.s32 s20, s19  }
0x14: {  	s6 =	simm.s32 $0x0;
	s21 =	sshll.u32 s4, $0x1;
	s4 =	sadd.s32 s22, s1  }
0x15: {  	[timem:s6], [sflag:s23] =	dma.local [hbm:s4], s21  }
0x16: {  	_ =	swait.ge [sflag:s23], s21  }
0x17: {  	s2 =	ssub.s32 $0x0, s21;
	[sflag:s23] =	ssyncset.done $0x0  }
0x18: {  	[sflag:s23] =	ssyncadd.s32 s2;
	_ =	sdelay $0x1  }
0x19: {  	s24 =	simm.s32 $0x1B8B  }
0x1a: {  	_ =	swait.ge [sflag:s24], $0x1  }
0x1b: {  	[sflag:s24] =	ssyncset.done $0x0  }
0x1c: {  	s26 =	simm.s32 $0x1B8E;
	s25 =	sld [smem:$0x3FFE];
	[sflag:s24] =	ssyncadd.s32 $0xFFFFFFFF  }
0x1d: {  	s27 =	simm.s32 $execute0_lowered;
	[smem:$0x3FD2] =	sst s26  }
0x1e: {  	s4 =	sshll.u32 s27, $0x1;
	_ =	strace $0x80000046;
	[dreg:$0x1] =	wrdreg $0xFFFFFFFF  }
0x1f: {  	s28 =	simm.s32 $_size_execute0_lowered;
	s1 =	sadd.s32 s1, s4;
	[dreg:$0x0] =	wrdreg $0x0  }
0x20: {  	s4 =	sshll.u32 s28, $0x1;
	[dreg:$0x2] =	wrdreg s1  }
0x21: {  	[dreg:$0x3] =	wrdreg s4  }
0x22: {  	[dreg:$0x4] =	wrdreg $0xC0  }
0x23: {  	_ =	task [dreg:s6], $0x5FFFF  }
0x24: {  	[dreg:$0x1] =	wrdreg $0xFFFFFFFF  }
0x25: {  	[dreg:$0x0] =	wrdreg $0x60  }
0x26: {  	[dreg:$0x2] =	wrdreg s25  }
0x27: {  	[dreg:$0x3] =	wrdreg $0x9  }
0x28: {  	_ =	task.clear_ibuf [dreg:s6], $0x4FFFF;
	_ =	strace $0x90000046  }
0x29: {  	s29 =	simm.s32 $0x9;
	_ =	strace $0x80000048  }
0x2a: {  	_ =	swait.ge [sflag:s29], $0x1  }
0x2b: {  	[sflag:s29] =	ssyncadd.s32 $0xFFFFFFFF  }
0x2c: {  	_ =	strace $0x90000048  }
0x2d: {  	_ =	sfence  }
0x2e: {  	s30 =	sld [smem:$0x0];
	_ =	sdelay $0x2  }
0x2f: {  	s31 =	sshll.u32 s3, $0xD;
	s3 =	sshrl.u32 s3, $0x2  }
0x30: {  	s2 =	sand.u32 $0x4000, s31;
	s1 =	sadd.s32 s3, s30  }
0x31: {  	s0 =	sor.u32 s2, s0;
	s1 =	sshll.u32 s1, $0x11  }
0x32: {  	s0 =	sor.u32 s1, s0  }
0x33: {  	s0 =	sadd.s32 $0x8F2B, s0  }
0x34: {  	[sflag:s0] =	ssyncadd.remote.s32 $0x1  }
0x35: {  	_ =	sfence.sel $0xFFFF  }
0x36: {  	[dreg:$0x0] =	wrdreg $0xFFFFFFFF;
	(pc) =	sbr.abs _section_cstart, $3  }
0x37: {  	[dreg:$0x1] =	wrdreg $0xFFFFFFFF  }
0x38: {  	_ =	task.clear_ibuf [dreg:s6], $0x2FFFF;
	_ =	strace $0x9FFFFFFF  }
0x39: {  	(tm) =	ssettm $0x7FFFFFFF  }
tec
execute0_lowered:
.L_overlay_start_1:
0x0: {  	(tag) =	ssettag $0x1  }
0x1: {  	s4 =	rddreg [dreg:$0x0]  }
0x2: {  	s0 =	rddreg [dreg:$0x1]  }
0x3: {  	_ =	strace $0x80000047;
	s1 =	stileid.u32;
	s3 =	srdreg.scid  }
0x4: {  	s31 =	simm.s32 $0x2;
	s19 =	simm.s32 $0x0;
	p0 =	por $0x0, $0x0  }
0x5: {  	s15 =	simm.s32 $0x0;
	s16 =	simm.s32 $0x0;
	s17 =	simm.s32 $0x0  }
0x6: {  	s18 =	simm.s32 $0x0;
	s9 =	simm.s32 $0x0;
	s10 =	simm.s32 $0x0  }
0x7: {  	s11 =	simm.s32 $0x0;
	s14 =	simm.s32 $0x0;
	s2 =	sadd.s32 $0x2000, s4  }
0x8: {  	s5 =	sshll.u32 s3, $0x4;
	s3 =	sand.u32 $0x1, s1;
	s4 =	sadd.s32 $0x202000, s4  }
.Ltmp0:
0x9: {  	s5 =	sand.u32 $0x10, s5;
	s6 =	ssub.s32 $0x2, s3;
	(pc) =	sbr.rel .LBB1_1-.Ltmp0, $4  }
0xa: {  	s13 =	smov.u32 s3;
	s7 =	sshrl.u32 s6, $0x1;
	s8 =	sand.u32 $0x1, s6  }
0xb: {  	s5 =	sor.u32 s1, s5;
	s6 =	simm.s32 $0x1;
	s7 =	sadd.s32 s8, s7  }
0xc: {  	s5 =	sshrl.u32 s5, $0x1;
	[sflag:s6] =	ssyncpa.u1 $0x0;
	s7 =	sshll.u32 s7, $0x5  }
0xd: {  	[sflag:s31] =	ssyncpa.u1 $0x0;
	s12 =	smov.u32 s5;
	s8 =	sor.u32 $0x1, s7  }
.LBB1_4:
0xe: {  	[tilespmem:s22+$0x1 ss:$0x81] =	vst.msk $0xffff, v11;
	v7 =	vcombine.high v7, v9;
	v4 =	vperm.xlane.i2c.b16 v4;
	v48 =	vld [tilespmem:s23+$0x230]  }
0xf: {  	[tilespmem:s22+$0x810 ss:$0x81] =	vst.msk $0xffff, v12;
	v49 =	vcombine.low v8, v10;
	v2 =	vperm.xlane.i2c.b16 v2;
	v50 =	vld [tilespmem:s23+$0x240]  }
0x10: {  	v51 =	vcombine.high v8, v10;
	v52 =	vld [tilespmem:s23+$0x250];
	v0 =	vcombine.high v0, v1;
	[tilespmem:s22+$0x811 ss:$0x81] =	vst.msk $0xffff, v7  }
0x11: {  	v5 =	vperm.xlane.i2c.b16 v5;
	v3 =	vperm.xlane.i2c.b16 v3;
	[tilespmem:s22+$0x1020 ss:$0x81] =	vst.msk $0xffff, v49  }
0x12: {  	v54 =	vperm.xlane.i2c.b16 v6;
	v53 =	vcombine.low v4, v2;
	[tilespmem:s20+$0x3061 ss:$0x81] =	vst.msk $0xffff, v0  }
0x13: {  	s19 =	sshll.u32 s19, $0x7;
	v2 =	vcombine.high v4, v2;
	v55 =	vcombine.low v5, v3;
	[tilespmem:s22+$0x1021 ss:$0x81] =	vst.msk $0xffff, v51  }
0x14: {  	s21 =	sshll.u32 s15, $0x3;
	s24 =	sshll.u32 s15, $0x1;
	s18 =	sshll.u32 s18, $0x14;
	v57 =	vcombine.high v5, v3;
	[tilespmem:s22+$0x1830 ss:$0x81] =	vst.msk $0xffff, v53;
	v56 =	vperm.xlane.i2c.b16 v48  }
0x15: {  	s17 =	sshll.u32 s17, $0x10;
	s31 =	sand.u32 $0x3FC00, s19;
	s21 =	sand.u32 $0x3FC00, s21;
	[tilespmem:s22+$0x2040 ss:$0x81] =	vst.msk $0xffff, v55;
	v58 =	vperm.xlane.i2c.b16 v50;
	v60 =	vperm.xlane.i2c.b16 v52  }
0x16: {  	s16 =	sshll.u32 s16, $0xE;
	s19 =	sand.u32 $0x300, s19;
	s21 =	sadd.s32 s21, s31;
	[tilespmem:s22+$0x1831 ss:$0x81] =	vst.msk $0xffff, v2;
	v59 =	vcombine.low v54, v56  }
0x17: {  	s26 =	sand.u32 $0x80, s24;
	s18 =	sadd.s32 s4, s18;
	s19 =	sor.u32 s19, s21;
	[tilespmem:s22+$0x2041 ss:$0x81] =	vst.msk $0xffff, v57;
	v62 =	vcombine.low v58, v60  }
0x18: {  	s27 =	sshrl.u32 s15, $0x3;
	s17 =	sadd.s32 s17, s18;
	s19 =	sor.u32 s26, s19;
	v61 =	vcombine.high v54, v56;
	[tilespmem:s22+$0x2850 ss:$0x81] =	vst.msk $0xffff, v59  }
0x19: {  	s29 =	sand.u32 $0x7, s27;
	s16 =	sadd.s32 s16, s17;
	s28 =	sshrl.u32 s19, $0x4;
	v63 =	vcombine.high v58, v60;
	[tilespmem:s22+$0x3060 ss:$0x81] =	vst.msk $0xffff, v62  }
0x1a: {  	s16 =	sadd.s32 s29, s16;
	s30 =	sand.u32 $0x3FF8, s28;
	[tilespmem:s22+$0x2851 ss:$0x81] =	vst.msk $0xffff, v61  }
0x1b: {  	s31 =	sand.u32 $0x7, s15;
	s16 =	sadd.s32 s30, s16;
	[tilespmem:s22+$0x3061 ss:$0x81] =	vst.msk $0xffff, v63  }
0x1c: {  	[hbm4b:s16+s31] =	stream.linear.scatter [tilespmem:s25], [sflag:$0x2], $0x4000, $0x20;
	[tilespmem:$0x10100] =	vst v63  }
.LBB1_5:
0x1d: {  	s20 =	sadd.s32 $0x100, s9  }
0x1e: {  	s15 =	sadd.s32 $0x80, s10;
	s21 =	smov.u32 s10;
	p2 =	sgt.s32 s20, $0x7FF  }
0x1f: {  	s21 =	smov.u32 @p2 s15  }
0x20: {  	s15 =	simm.s32 $0x1;
	p3 =	sgt.s32 s21, $0x7F  }
0x21: {  	s15 =	simm.s32 @!p3 $0x0  }
0x22: {  	s22 =	sadd.s32 s15, s11  }
0x23: {  	s23 =	smov.u32 s12;
	s15 =	sadd.s32 $0x10, s12;
	p4 =	sgt.s32 s22, $0x3  }
0x24: {  	p1 =	slt.u32 s14, $0x2;
	s24 =	smov.u32 s13;
	s23 =	smov.u32 @p4 s15  }
0x25: {  	s19 =	smov.u32 s9;
	s15 =	sadd.s32 $0x2, s13;
	p5 =	sgt.s32 s23, $0xF  }
0x26: {  	s16 =	smov.u32 s11;
	s17 =	smov.u32 s12;
	s24 =	smov.u32 @p5 s15  }
0x27: {  	s18 =	smov.u32 s13;
	s20 =	simm.s32 @p2 $0x0;
	p2 =	sgt.s32 s24, $0x1  }
0x28: {  	s25 =	simm.s32 @!p1 $0x2;
	s24 =	smov.u32 @p2 s3;
	p2 =	sne.s32 s14, s8  }
.Ltmp1:
0x29: {  	p0 =	por !p0, !p0;
	_ =	swait.ge @!p1 [sflag:s25], $0x4000;
	(pc) =	sbr.rel @!p2 .LBB1_6-.Ltmp1, $4  }
0x2a: {  	[sflag:s25] =	ssyncset.done @!p1 $0x0;
	s9 =	smov.u32 s20;
	s22 =	simm.s32 @p4 $0x0  }
0x2b: {  	s21 =	simm.s32 @p3 $0x0;
	[sflag:s25] =	ssyncadd.s32 @!p1 $0xFFFFC000;
	s11 =	smov.u32 s22  }
0x2c: {  	s23 =	smov.u32 @p5 s5;
	s15 =	smov.u32 s10;
	s10 =	smov.u32 s21  }
0x2d: {  	s12 =	smov.u32 s23;
	s14 =	sadd.s32 $0x1, s14;
	s13 =	smov.u32 s24  }
.LBB1_1:
0x2e: {  	p1 =	sge.u32 s14, s7  }
0x2f: {  	s31 =	sadd.s32 $0xFFFFFFFF, s14;
	s20 =	sxor.u32 @!p1 $0xFFFFFFFF, s14;
	s21 =	sshll.u32 @!p1 s10, $0xB  }
0x30: {  	s22 =	sshll.u32 @!p1 s9, $0x3;
	s23 =	sshll.u32 @!p1 s10, $0x7;
	s24 =	sshll.u32 @!p1 s9, $0x1  }
0x31: {  	s25 =	sshll.u32 @!p1 s13, $0x14;
	s21 =	sand.u32 @!p1 $0x3C000, s21;
	s23 =	sand.u32 @!p1 $0x300, s23  }
0x32: {  	s24 =	sand.u32 @!p1 $0xF0, s24;
	s21 =	sadd.s32 @!p1 s21, s22;
	s22 =	sand.u32 @!p1 $0x400, s22  }
0x33: {  	s25 =	sadd.s32 @!p1 s2, s25;
	s22 =	sor.u32 @!p1 s23, s22;
	s23 =	sshll.u32 @!p1 s12, $0x10  }
0x34: {  	s21 =	sshrl.u32 @!p1 s21, $0x4;
	s23 =	sadd.s32 @!p1 s23, s25;
	s25 =	sshll.u32 @!p1 s11, $0xE  }
0x35: {  	s22 =	sor.u32 @!p1 s24, s22;
	s21 =	sand.u32 @!p1 $0x3F80, s21;
	s23 =	sadd.s32 @!p1 s25, s23  }
0x36: {  	s22 =	sshrl.u32 @!p1 s22, $0x4;
	s21 =	sadd.s32 @!p1 s21, s23;
	s23 =	sand.u32 @!p1 $0x7, s9  }
0x37: {  	s20 =	sshll.u32 @!p1 s20, $0xE;
	s21 =	sadd.s32 @!p1 s22, s21;
	s22 =	sshll.u32 @!p1 s23, $0x12  }
0x38: {  	s20 =	sand.u32 @!p1 $0x4000, s20;
	s23 =	simm.s32 @!p1 $0x2000;
	s22 =	sor.u32 @!p1 $0x400, s22  }
0x39: {  	[tilespmem:s20], [sflag:$0x1] =	stream.strided.gather @!p1 [hbm4b:s21+s22], $0x4000, s23, s22, $0x38;
	[tilespmem:$0x10100] =	vst v63  }
0x3a: {  	p1 =	sge.u32 s31, s7  }
.Ltmp2:
0x3b: {  	_ = 	snop;
	(pc) =	sbr.rel @p1 .LBB1_5-.Ltmp2, $1  }
0x3c: {  	_ =	sdelay $0x3  }
0x3d: {  	s22 =	sand.u32 $0x1, s14;
	s20 =	simm.s32 $0x0  }
0x3e: {  	_ =	swait.ge [sflag:s6], $0x4000;
	s21 =	sshll.u32 s22, $0xE;
	s23 =	sand.u32 $0x3C00, s20  }
0x3f: {  	[sflag:s6] =	ssyncset.done $0x0;
	s20 =	sand.u32 $0x180, s20;
	s23 =	sadd.s32 s23, s21  }
0x40: {  	[sflag:s6] =	ssyncadd.s32 $0xFFFFC000;
	s25 =	sadd.s32 s20, s23  }
0x41: {  	v0 =	vld [tilespmem:s25+$0x260]  }
0x42: {  	v1 =	vld [tilespmem:s25+$0x270]  }
0x43: {  	v2 =	vld [tilespmem:s25+$0x0]  }
0x44: {  	v3 =	vld [tilespmem:s25+$0x10]  }
0x45: {  	v4 =	vld [tilespmem:s25+$0x20]  }
0x46: {  	s20 =	simm.s32 $0x1;
	v5 =	vld [tilespmem:s25+$0x30]  }
0x47: {  	s20 =	simm.s32 @!p0 $0x0;
	v6 =	vld [tilespmem:s25+$0x40]  }
0x48: {  	v7 =	vld [tilespmem:s25+$0x50];
	s20 =	smul.u32 $0x10200, s20;
	v1 =	vperm.xlane.i2c.b16 v1;
	v0 =	vperm.xlane.i2c.b16 v0  }
0x49: {  	v8 =	vld [tilespmem:s25+$0x60];
	v2 =	vperm.xlane.i2c.b16 v2;
	v3 =	vperm.xlane.i2c.b16 v3  }
0x4a: {  	v10 =	vld [tilespmem:s25+$0x70];
	s20 =	sshrl.u32 s20, $0x2;
	v9 =	vcombine.low v0, v1;
	v0 =	vcombine.high v0, v1  }
0x4b: {  	s20 =	sor.u32 $0x8000, s20;
	v1 =	vperm.xlane.i2c.b16 v5;
	v5 =	vld [tilespmem:s25+$0x200];
	v11 =	vcombine.low v2, v3  }
0x4c: {  	v4 =	vperm.xlane.i2c.b16 v4;
	v2 =	vcombine.high v2, v3;
	v3 =	vld [tilespmem:s25+$0x210];
	[tilespmem:s20+$0x3870 ss:$0x81] =	vst.msk $0xffff, v9  }
0x4d: {  	s30 =	simm.s32 $0x100;
	v6 =	vperm.xlane.i2c.b16 v6;
	v7 =	vperm.xlane.i2c.b16 v7;
	v9 =	vld [tilespmem:s25+$0x220];
	[tilespmem:s20+$0x0 ss:$0x81] =	vst.msk $0xffff, v11  }
0x4e: {  	s24 =	simm.s32 $0x80;
	s23 =	sand.u32 $0x3C00, s30;
	[tilespmem:s20+$0x3871 ss:$0x81] =	vst.msk $0xffff, v0;
	v0 =	vcombine.low v4, v1;
	v1 =	vcombine.high v4, v1;
	v4 =	vld [tilespmem:s25+$0x230]  }
0x4f: {  	s26 =	sand.u32 $0x180, s24;
	s23 =	sadd.s32 s23, s21;
	[tilespmem:s20+$0x1 ss:$0x81] =	vst.msk $0xffff, v2;
	v2 =	vperm.xlane.i2c.b16 v8;
	v8 =	vperm.xlane.i2c.b16 v10;
	v10 =	vld [tilespmem:s25+$0x240]  }
0x50: {  	s23 =	sadd.s32 s26, s23;
	[tilespmem:s20+$0x810 ss:$0x81] =	vst.msk $0xffff, v0;
	v0 =	vcombine.low v6, v7;
	v6 =	vcombine.high v6, v7;
	v7 =	vld [tilespmem:s25+$0x250]  }
0x51: {  	v11 =	vcombine.low v2, v8;
	v2 =	vcombine.high v2, v8;
	v8 =	vld [tilespmem:s23+$0x0];
	[tilespmem:s20+$0x811 ss:$0x81] =	vst.msk $0xffff, v1  }
0x52: {  	v1 =	vperm.xlane.i2c.b16 v5;
	v5 =	vld [tilespmem:s23+$0x260];
	[tilespmem:s20+$0x1020 ss:$0x81] =	vst.msk $0xffff, v0;
	v0 =	vperm.xlane.i2c.b16 v3  }
0x53: {  	v3 =	vld [tilespmem:s23+$0x270];
	[tilespmem:s20+$0x1021 ss:$0x81] =	vst.msk $0xffff, v6;
	v6 =	vperm.xlane.i2c.b16 v9  }
0x54: {  	[tilespmem:s20+$0x1830 ss:$0x81] =	vst.msk $0xffff, v11;
	v11 =	vld [tilespmem:s23+$0x10];
	v4 =	vperm.xlane.i2c.b16 v4;
	v9 =	vcombine.low v1, v0  }
0x55: {  	v12 =	vcombine.high v1, v0;
	v0 =	vperm.xlane.i2c.b16 v10  }
0x56: {  	[tilespmem:s20+$0x1831 ss:$0x81] =	vst.msk $0xffff, v2;
	v2 =	vld [tilespmem:s23+$0x20];
	v10 =	vcombine.low v6, v4;
	v1 =	vperm.xlane.i2c.b16 v7  }
0x57: {  	v4 =	vcombine.high v6, v4;
	v8 =	vperm.xlane.i2c.b16 v8;
	[tilespmem:s20+$0x2040 ss:$0x81] =	vst.msk $0xffff, v9;
	v9 =	vld [tilespmem:s23+$0x30]  }
0x58: {  	v6 =	vld [tilespmem:s23+$0x40];
	v5 =	vperm.xlane.i2c.b16 v5;
	[tilespmem:s20+$0x2041 ss:$0x81] =	vst.msk $0xffff, v12;
	v3 =	vperm.xlane.i2c.b16 v3  }
0x59: {  	[tilespmem:s20+$0x2850 ss:$0x81] =	vst.msk $0xffff, v10;
	v10 =	vld [tilespmem:s23+$0x50];
	v12 =	vcombine.low v0, v1;
	v11 =	vperm.xlane.i2c.b16 v11  }
0x5a: {  	[tilespmem:s20+$0x2851 ss:$0x81] =	vst.msk $0xffff, v4;
	v4 =	vld [tilespmem:s23+$0x60];
	v13 =	vcombine.low v5, v3  }
0x5b: {  	s31 =	smul.u32 $0x10200, s22;
	s22 =	sadd.s32 $0x2, s20;
	v7 =	vperm.xlane.i2c.b16 v2;
	v2 =	vld [tilespmem:s23+$0x70];
	[tilespmem:s20+$0x3060 ss:$0x81] =	vst.msk $0xffff, v12;
	v12 =	vcombine.low v8, v11  }
0x5c: {  	v14 =	vcombine.high v5, v3;
	v5 =	vld [tilespmem:s23+$0x200];
	v9 =	vperm.xlane.i2c.b16 v9;
	[tilespmem:s22+$0x3870 ss:$0x81] =	vst.msk $0xffff, v13  }
0x5d: {  	s25 =	sshrl.u32 s31, $0x2;
	v11 =	vcombine.high v8, v11;
	v3 =	vld [tilespmem:s23+$0x210];
	v8 =	vperm.xlane.i2c.b16 v6;
	[tilespmem:s22+$0x0 ss:$0x81] =	vst.msk $0xffff, v12  }
0x5e: {  	s27 =	simm.s32 $0x200;
	s26 =	simm.s32 $0x2;
	s25 =	sor.u32 $0x8000, s25;
	v6 =	vld [tilespmem:s23+$0x220];
	[tilespmem:s22+$0x3871 ss:$0x81] =	vst.msk $0xffff, v14;
	v10 =	vperm.xlane.i2c.b16 v10;
	v12 =	vcombine.low v7, v9  }
.LBB1_3:
0x5f: {  	s28 =	sand.u32 $0x3C00, s27;
	[tilespmem:s22+$0x1 ss:$0x81] =	vst.msk $0xffff, v11;
	v7 =	vcombine.high v7, v9;
	v4 =	vperm.xlane.i2c.b16 v4;
	v9 =	vld [tilespmem:s23+$0x230];
	s24 =	sadd.s32 $0x80, s24  }
0x60: {  	v11 =	vcombine.low v8, v10;
	v2 =	vperm.xlane.i2c.b16 v2;
	s29 =	sand.u32 $0x180, s24;
	s28 =	sadd.s32 s28, s21;
	[tilespmem:s22+$0x810 ss:$0x81] =	vst.msk $0xffff, v12;
	v12 =	vld [tilespmem:s23+$0x240]  }
0x61: {  	s26 =	sadd.s32 $0x2, s26;
	v5 =	vperm.xlane.i2c.b16 v5;
	[tilespmem:s22+$0x811 ss:$0x81] =	vst.msk $0xffff, v7;
	v7 =	vcombine.high v8, v10;
	v8 =	vld [tilespmem:s23+$0x250];
	s23 =	sadd.s32 s29, s28  }
0x62: {  	v3 =	vperm.xlane.i2c.b16 v3;
	p1 =	slt.u32 s26, $0x7E;
	v10 =	vld [tilespmem:s23+$0x260];
	[tilespmem:s22+$0x1020 ss:$0x81] =	vst.msk $0xffff, v11;
	v11 =	vcombine.low v4, v2  }
0x63: {  	v2 =	vcombine.high v4, v2;
	v4 =	vperm.xlane.i2c.b16 v6;
	v13 =	vld [tilespmem:s23+$0x270];
	[tilespmem:s22+$0x1021 ss:$0x81] =	vst.msk $0xffff, v7  }
0x64: {  	v7 =	vcombine.low v5, v3;
	v6 =	vld [tilespmem:s23+$0x0];
	[tilespmem:s22+$0x1830 ss:$0x81] =	vst.msk $0xffff, v11;
	v9 =	vperm.xlane.i2c.b16 v9  }
0x65: {  	v11 =	vld [tilespmem:s23+$0x10];
	[tilespmem:s22+$0x1831 ss:$0x81] =	vst.msk $0xffff, v2;
	v2 =	vcombine.high v5, v3;
	v3 =	vperm.xlane.i2c.b16 v12  }
0x66: {  	v5 =	vld [tilespmem:s23+$0x20];
	[tilespmem:s22+$0x2040 ss:$0x81] =	vst.msk $0xffff, v7;
	v7 =	vcombine.low v4, v9;
	v8 =	vperm.xlane.i2c.b16 v8  }
0x67: {  	v12 =	vld [tilespmem:s23+$0x30];
	[tilespmem:s22+$0x2041 ss:$0x81] =	vst.msk $0xffff, v2;
	v2 =	vcombine.high v4, v9;
	v9 =	vcombine.high v0, v1;
	v0 =	vmov v3  }
0x68: {  	v10 =	vperm.xlane.i2c.b16 v10;
	v3 =	vld [tilespmem:s23+$0x40];
	v13 =	vperm.xlane.i2c.b16 v13;
	[tilespmem:s22+$0x2850 ss:$0x81] =	vst.msk $0xffff, v7;
	v1 =	vmov v8  }
0x69: {  	v6 =	vperm.xlane.i2c.b16 v6;
	v14 =	vld [tilespmem:s23+$0x50];
	[tilespmem:s22+$0x2851 ss:$0x81] =	vst.msk $0xffff, v2;
	v8 =	vcombine.low v0, v1  }
.Ltmp3:
0x6a: {  	v11 =	vperm.xlane.i2c.b16 v11;
	v4 =	vld [tilespmem:s23+$0x60];
	v15 =	vcombine.low v10, v13;
	[tilespmem:s20+$0x3061 ss:$0x81] =	vst.msk $0xffff, v9;
	s20 =	smov.u32 s22;
	(pc) =	sbr.rel @p1 .LBB1_3-.Ltmp3, $4  }
0x6b: {  	v10 =	vcombine.high v10, v13;
	s22 =	sadd.s32 $0x2, s22;
	v7 =	vperm.xlane.i2c.b16 v5;
	v2 =	vld [tilespmem:s23+$0x70];
	[tilespmem:s20+$0x3060 ss:$0x81] =	vst.msk $0xffff, v8  }
0x6c: {  	v13 =	vcombine.low v6, v11;
	v9 =	vperm.xlane.i2c.b16 v12;
	v5 =	vld [tilespmem:s23+$0x200];
	[tilespmem:s22+$0x3870 ss:$0x81] =	vst.msk $0xffff, v15  }
0x6d: {  	v11 =	vcombine.high v6, v11;
	v8 =	vperm.xlane.i2c.b16 v3;
	v3 =	vld [tilespmem:s23+$0x210];
	[tilespmem:s22+$0x3871 ss:$0x81] =	vst.msk $0xffff, v10  }
0x6e: {  	s27 =	sadd.s32 $0x100, s27;
	[tilespmem:s22+$0x0 ss:$0x81] =	vst.msk $0xffff, v13;
	v12 =	vcombine.low v7, v9;
	v10 =	vperm.xlane.i2c.b16 v14;
	v6 =	vld [tilespmem:s23+$0x220]  }
.Ltmp4:
0x6f: {  	_ = 	snop;
	(pc) =	sbr.rel .LBB1_4-.Ltmp4, $1  }
0x70: {  	_ =	sdelay $0x3  }
.LBB1_6:
0x71: {  	_ =	sfence.sel $0x180000  }
0x72: {  	s2 =	simm.s32 $0x1;
	[bflag:$0x0] =	sbarrier.arrive $0xFFFF  }
0x73: {  	s31 =	simm.s32 $0x2;
	[sflag:s2] =	ssyncpa.u1 $0x1  }
0x74: {  	[sflag:s31] =	ssyncpa.u1 $0x1  }
0x75: {  	p0 =	sne.s32 s1, $0x0;
	_ =	strace $0x90000047  }
0x76: {  	s0 =	sadd.s32 @!p0 $0x100000, s0;
	[bflag:$0x2] =	sbarrier.arrive $0xFFFF  }
0x77: {  	[sflag:s0] =	ssyncadd.tile.s32 @!p0 $0x1;
	_ =	shalt  }
.Lfunc_end1:
_tile_overlayer_lowered:
.L_overlay_start_2:
0x78: {  	(tag) =	ssettag $0x2  }
0x79: {  	s0 =	rddreg [dreg:$0x0];
	s2 =	stileid.u32  }
0x7a: {  	s1 =	rddreg [dreg:$0x1];
	p0 =	sne.s32 s2, $0x0  }
0x7b: {  	s3 =	rddreg [dreg:$0x2];
	[bflag:$0x3] =	sbarrier.arrive $0xFFFF;
	s2 =	simm.s32 @!p0 $0x1C01  }
0x7c: {  	[timem:s3], [sflag:s2] =	dma.local @!p0 [hbm:s0], s1  }
0x7d: {  	s0 =	simm.s32 @!p0 $0x1  }
0x7e: {  	_ =	swait.ge @!p0 [sflag:s0], s1  }
0x7f: {  	s1 =	ssub.s32 @!p0 $0x0, s1;
	[sflag:s0] =	ssyncset.done @!p0 $0x0  }
0x80: {  	[sflag:s0] =	ssyncadd.s32 @!p0 s1  }
0x81: {  	[bflag:$0x3] =	sbarrier.arrive $0xFFFF  }
0x82: {  	_ =	shalt  }

</sc_bundles>
